<compile_context>
chip_gen: v7x
topology: tpu7x:2x2x1
jax: 0.10.2.dev20260603
libtpu: 0.0.44.dev20260713+nightly
codegen_flags: <defaults>
</compile_context>

<pallas_src>
import jax
import jax.numpy as jnp
from jax import lax
from jax.experimental import pallas as pl
from jax.experimental.pallas import tpu as pltpu
from jax.experimental.pallas import tpu_sc as plsc

T, H, W = 16, 32, 32
C = 128
B = 8
NTOK = (T // 2) * (H // 2) * (W // 2)
NROWS = NTOK * B * 8

NC, NS, L = 2, 16, 16
NW = NC * NS
EL_PER_W = T * H * W * B // NW
CHUNK = 64
NCHUNK = EL_PER_W // CHUNK
NBUF = 8
LOOKAHEAD = 6
VPC = CHUNK // L

_mesh = plsc.VectorSubcoreMesh(
    core_axis_name="c", subcore_axis_name="s", num_cores=NC, num_subcores=NS
)


def _body(x_hbm, table_hbm, out_hbm, xin, oidx, rows, *sems):
    gsem = sems[:NBUF]
    ssem = sems[NBUF:]
    wid = lax.axis_index("s") * NC + lax.axis_index("c")

    pltpu.sync_copy(x_hbm.at[pl.ds(wid * EL_PER_W, EL_PER_W)], xin)

    def _gather(c, s):
        pltpu.make_async_copy(
            table_hbm.at[xin.at[pl.ds(c * CHUNK, CHUNK)]], rows.at[s], gsem[s]
        ).start()

    for s in range(LOOKAHEAD):
        _gather(s, s)

    iota = lax.iota(jnp.int32, L)
    mbase = wid * EL_PER_W

    @pl.loop(0, EL_PER_W // L)
    def _compute_oidx(j0):
        m = mbase + j0 * L + iota
        b = m & 7
        i = m >> 3
        w_ = i & 31
        h = (i >> 5) & 31
        t = i >> 10
        j = (
            (t >> 1) * 16384
            + (h >> 1) * 1024
            + (w_ >> 1) * 64
            + (w_ & 1) * 32
            + (h & 1) * 16
            + (t & 1) * 8
            + b
        )
        oidx[j0 // VPC, pl.ds((j0 % VPC) * L, L)] = j

    def _scatter(c, s):
        pltpu.make_async_copy(rows.at[s], out_hbm.at[oidx.at[c]], ssem[s]).start()

    def _wait_gather(c, s):
        pltpu.make_async_copy(
            table_hbm.at[xin.at[pl.ds(c * CHUNK, CHUNK)]], rows.at[s], gsem[s]
        ).wait()

    def _wait_scatter(c, s):
        pltpu.make_async_copy(rows.at[s], out_hbm.at[oidx.at[c]], ssem[s]).wait()

    @pl.loop(0, NCHUNK, step=NBUF)
    def _chunk_loop(c0):
        for s in range(NBUF):
            c = c0 + s
            _wait_gather(c, s)
            s2 = (s + LOOKAHEAD) % NBUF
            cn = c + LOOKAHEAD

            @pl.when(cn >= NBUF)
            def _():
                _wait_scatter(cn - NBUF, s2)

            @pl.when(cn < NCHUNK)
            def _():
                _gather(cn, s2)

            _scatter(c, s)

    for c in range(NCHUNK - NBUF + LOOKAHEAD, NCHUNK):
        _wait_scatter(c, c % NBUF)


_lookup = pl.kernel(
    _body,
    out_type=jax.ShapeDtypeStruct((NROWS, C), jnp.float32),
    mesh=_mesh,
    scratch_types=[
        pltpu.VMEM((EL_PER_W,), jnp.int32),
        pltpu.VMEM((NCHUNK, CHUNK), jnp.int32),
        pltpu.VMEM((NBUF, CHUNK, C), jnp.float32),
    ]
    + [pltpu.SemaphoreType.DMA] * (2 * NBUF),
)


@jax.jit
def kernel(x, table):
    out = _lookup(x.reshape(-1), table)
    e = out.reshape(NTOK, 8, B, C)
    return jnp.swapaxes(e, 1, 2).reshape(NTOK, B, 8 * C)

# --- scband reference (transcript-rebuilt; emitter-appended) ---
"""Pipeline reference for scband-grid-embedding-49555332662095 (READ-ONLY COPY).

The authoritative reference and input builder live on the scoring server;
editing this copy changes nothing except your own understanding.
"""

import jax, jax.numpy as jnp
import numpy as np

T, H, W = 16, 32, 32
GT, GH, GW = 2, 2, 2
TT, HH, WW = 8, 16, 16
CHANNELS = 1024
V = 65536
GRID_CELLS = GT * GH * GW
C = CHANNELS // GRID_CELLS  # 128
B = 8


def setup_inputs(seed: int = 0) -> dict:
    key = jax.random.key(seed)
    k1, k2 = jax.random.split(key)
    x = jax.random.randint(k1, (T * H * W, B), 0, V, dtype=jnp.int32)
    table = jax.random.normal(k2, (V, C), dtype=jnp.float32)
    return {"x": x, "table": table}


def reference(x, table):
    # embedding lookup
    e = jnp.take(table, x, axis=0)  # [T*H*W, B, C]
    b = e.shape[-2]
    c = e.shape[-1]
    e = e.reshape(T, H, W, b, c)
    if GT > 1:
        e = jnp.concatenate([e[i::GT] for i in range(GT)], axis=-1)
    if GH > 1:
        e = jnp.concatenate([e[:, i::GH] for i in range(GH)], axis=-1)
    if GW > 1:
        e = jnp.concatenate([e[:, :, i::GW] for i in range(GW)], axis=-1)
    e = e.reshape(TT * HH * WW, b, CHANNELS)
    return e

if __name__ == "__main__":
    import jax
    _d = setup_inputs()
    print(jax.jit(kernel)(*tuple(_d.values())))

</pallas_src>

<mosaic_0001>
#map = affine_map<(d0, d1) -> (0)>
#map1 = affine_map<(d0, d1) -> (0, 0)>
module attributes {stable_mosaic.version = 14 : i64} {
  func.func @_body(%arg0: i32, %arg1: i32, %arg2: memref<131072xi32, #tpu.memory_space<hbm>>, %arg3: memref<65536x128xf32, #tpu.memory_space<hbm>>, %arg4: memref<131072x128xf32, #tpu.memory_space<hbm>>, %arg5: memref<4096xi32, #tpu.memory_space<vmem>>, %arg6: memref<64x64xi32, #tpu.memory_space<vmem>>, %arg7: memref<8x64x128xf32, #tpu.memory_space<vmem>>, %arg8: memref<!tpu.dma_semaphore, #tpu.memory_space<semaphore_mem>>, %arg9: memref<!tpu.dma_semaphore, #tpu.memory_space<semaphore_mem>>, %arg10: memref<!tpu.dma_semaphore, #tpu.memory_space<semaphore_mem>>, %arg11: memref<!tpu.dma_semaphore, #tpu.memory_space<semaphore_mem>>, %arg12: memref<!tpu.dma_semaphore, #tpu.memory_space<semaphore_mem>>, %arg13: memref<!tpu.dma_semaphore, #tpu.memory_space<semaphore_mem>>, %arg14: memref<!tpu.dma_semaphore, #tpu.memory_space<semaphore_mem>>, %arg15: memref<!tpu.dma_semaphore, #tpu.memory_space<semaphore_mem>>, %arg16: memref<!tpu.dma_semaphore, #tpu.memory_space<semaphore_mem>>, %arg17: memref<!tpu.dma_semaphore, #tpu.memory_space<semaphore_mem>>, %arg18: memref<!tpu.dma_semaphore, #tpu.memory_space<semaphore_mem>>, %arg19: memref<!tpu.dma_semaphore, #tpu.memory_space<semaphore_mem>>, %arg20: memref<!tpu.dma_semaphore, #tpu.memory_space<semaphore_mem>>, %arg21: memref<!tpu.dma_semaphore, #tpu.memory_space<semaphore_mem>>, %arg22: memref<!tpu.dma_semaphore, #tpu.memory_space<semaphore_mem>>, %arg23: memref<!tpu.dma_semaphore, #tpu.memory_space<semaphore_mem>>) attributes {dimension_semantics = [#tpu.dimension_semantics<core_parallel>, #tpu.dimension_semantics<subcore_parallel>], iteration_bounds = array<i64: 2, 16>, scalar_prefetch = 0 : i64, scratch_operands = 19 : i64, tpu.core_type = #tpu.core_type<sc_vector_subcore>, window_params = [{transform_indices = #map}, {transform_indices = #map1}, {transform_indices = #map1}]} {
    %mul3A = arith.constant 2 : i32
    %mul3A_0 = arith.muli %arg1, %mul3A : i32
    %add3A = arith.addi %mul3A_0, %arg0 : i32
    %mul3A_1 = arith.constant 4096 : i32
    %mul3A_2 = arith.muli %add3A, %mul3A_1 : i32
    "tpu.region"() ({
      %run_scoped3A = tpu.sem_alloc : memref<!tpu.dma_semaphore, #tpu.memory_space<semaphore_mem>>
      %dma_start3A_96 = tpu.memref_slice %arg2[%mul3A_2] : memref<131072xi32, #tpu.memory_space<hbm>> -> memref<4096xi32, #tpu.memory_space<hbm>>
      %dma_start3A_97 = tpu.memref_slice %arg2[%mul3A_2] : memref<131072xi32, #tpu.memory_space<hbm>> -> memref<4096xi32, #tpu.memory_space<hbm>>
      tpu.enqueue_dma source(%dma_start3A_97 : memref<4096xi32, #tpu.memory_space<hbm>>) target(%arg5 : memref<4096xi32, #tpu.memory_space<vmem>>) target_semaphore(%run_scoped3A : memref<!tpu.dma_semaphore, #tpu.memory_space<semaphore_mem>>)
      %dma_wait3A_98 = tpu.memref_slice %arg2[%mul3A_2] : memref<131072xi32, #tpu.memory_space<hbm>> -> memref<4096xi32, #tpu.memory_space<hbm>>
      %dma_wait3A_99 = tpu.memref_slice %arg2[%mul3A_2] : memref<131072xi32, #tpu.memory_space<hbm>> -> memref<4096xi32, #tpu.memory_space<hbm>>
      tpu.wait_dma2 semaphore(%run_scoped3A : memref<!tpu.dma_semaphore, #tpu.memory_space<semaphore_mem>>) src(%dma_wait3A_99 : memref<4096xi32, #tpu.memory_space<hbm>>) dst(%arg5 : memref<4096xi32, #tpu.memory_space<vmem>>)
      tpu.yield
    }) : () -> ()
    %dma_start3A = arith.constant 0 : i32
    %dma_start3A_3 = arith.constant 0 : i32
    %dma_start3A_4 = arith.constant 0 : i32
    %dma_start3A_5 = tpu.memref_slice %arg7[%dma_start3A, %dma_start3A_3, %dma_start3A_4] : memref<8x64x128xf32, #tpu.memory_space<vmem>> -> memref<1x64x128xf32, #tpu.memory_space<vmem>>
    %dma_start3A_6 = tpu.memref_squeeze %dma_start3A_5 : memref<1x64x128xf32, #tpu.memory_space<vmem>> -> memref<64x128xf32, #tpu.memory_space<vmem>>
    %dma_start3A_7 = arith.constant 0 : i32
    %dma_start3A_8 = tpu.memref_slice %arg5[%dma_start3A_7] : memref<4096xi32, #tpu.memory_space<vmem>> -> memref<64xi32, #tpu.memory_space<vmem>>
    %dma_start3A_9 = arith.constant 0 : i32
    %dma_start3A_10 = arith.constant 0 : i32
    %dma_start3A_11 = tpu.memref_slice %arg3[%dma_start3A_9, %dma_start3A_10] : memref<65536x128xf32, #tpu.memory_space<hbm>> -> memref<65536x128xf32, #tpu.memory_space<hbm>>
    tpu.enqueue_indirect_dma source(%dma_start3A_11 : memref<65536x128xf32, #tpu.memory_space<hbm>>) target(%dma_start3A_6 : memref<64x128xf32, #tpu.memory_space<vmem>>) offsets(%dma_start3A_8 : memref<64xi32, #tpu.memory_space<vmem>>) semaphore(%arg8 : memref<!tpu.dma_semaphore, #tpu.memory_space<semaphore_mem>>)
    %dma_start3A_12 = arith.constant 1 : i32
    %dma_start3A_13 = arith.constant 0 : i32
    %dma_start3A_14 = arith.constant 0 : i32
    %dma_start3A_15 = tpu.memref_slice %arg7[%dma_start3A_12, %dma_start3A_13, %dma_start3A_14] : memref<8x64x128xf32, #tpu.memory_space<vmem>> -> memref<1x64x128xf32, #tpu.memory_space<vmem>>
    %dma_start3A_16 = tpu.memref_squeeze %dma_start3A_15 : memref<1x64x128xf32, #tpu.memory_space<vmem>> -> memref<64x128xf32, #tpu.memory_space<vmem>>
    %dma_start3A_17 = arith.constant 64 : i32
    %dma_start3A_18 = tpu.memref_slice %arg5[%dma_start3A_17] : memref<4096xi32, #tpu.memory_space<vmem>> -> memref<64xi32, #tpu.memory_space<vmem>>
    %dma_start3A_19 = arith.constant 0 : i32
    %dma_start3A_20 = arith.constant 0 : i32
    %dma_start3A_21 = tpu.memref_slice %arg3[%dma_start3A_19, %dma_start3A_20] : memref<65536x128xf32, #tpu.memory_space<hbm>> -> memref<65536x128xf32, #tpu.memory_space<hbm>>
    tpu.enqueue_indirect_dma source(%dma_start3A_21 : memref<65536x128xf32, #tpu.memory_space<hbm>>) target(%dma_start3A_16 : memref<64x128xf32, #tpu.memory_space<vmem>>) offsets(%dma_start3A_18 : memref<64xi32, #tpu.memory_space<vmem>>) semaphore(%arg9 : memref<!tpu.dma_semaphore, #tpu.memory_space<semaphore_mem>>)
    %dma_start3A_22 = arith.constant 2 : i32
    %dma_start3A_23 = arith.constant 0 : i32
    %dma_start3A_24 = arith.constant 0 : i32
    %dma_start3A_25 = tpu.memref_slice %arg7[%dma_start3A_22, %dma_start3A_23, %dma_start3A_24] : memref<8x64x128xf32, #tpu.memory_space<vmem>> -> memref<1x64x128xf32, #tpu.memory_space<vmem>>
    %dma_start3A_26 = tpu.memref_squeeze %dma_start3A_25 : memref<1x64x128xf32, #tpu.memory_space<vmem>> -> memref<64x128xf32, #tpu.memory_space<vmem>>
    %dma_start3A_27 = arith.constant 128 : i32
    %dma_start3A_28 = tpu.memref_slice %arg5[%dma_start3A_27] : memref<4096xi32, #tpu.memory_space<vmem>> -> memref<64xi32, #tpu.memory_space<vmem>>
    %dma_start3A_29 = arith.constant 0 : i32
    %dma_start3A_30 = arith.constant 0 : i32
    %dma_start3A_31 = tpu.memref_slice %arg3[%dma_start3A_29, %dma_start3A_30] : memref<65536x128xf32, #tpu.memory_space<hbm>> -> memref<65536x128xf32, #tpu.memory_space<hbm>>
    tpu.enqueue_indirect_dma source(%dma_start3A_31 : memref<65536x128xf32, #tpu.memory_space<hbm>>) target(%dma_start3A_26 : memref<64x128xf32, #tpu.memory_space<vmem>>) offsets(%dma_start3A_28 : memref<64xi32, #tpu.memory_space<vmem>>) semaphore(%arg10 : memref<!tpu.dma_semaphore, #tpu.memory_space<semaphore_mem>>)
    %dma_start3A_32 = arith.constant 3 : i32
    %dma_start3A_33 = arith.constant 0 : i32
    %dma_start3A_34 = arith.constant 0 : i32
    %dma_start3A_35 = tpu.memref_slice %arg7[%dma_start3A_32, %dma_start3A_33, %dma_start3A_34] : memref<8x64x128xf32, #tpu.memory_space<vmem>> -> memref<1x64x128xf32, #tpu.memory_space<vmem>>
    %dma_start3A_36 = tpu.memref_squeeze %dma_start3A_35 : memref<1x64x128xf32, #tpu.memory_space<vmem>> -> memref<64x128xf32, #tpu.memory_space<vmem>>
    %dma_start3A_37 = arith.constant 192 : i32
    %dma_start3A_38 = tpu.memref_slice %arg5[%dma_start3A_37] : memref<4096xi32, #tpu.memory_space<vmem>> -> memref<64xi32, #tpu.memory_space<vmem>>
    %dma_start3A_39 = arith.constant 0 : i32
    %dma_start3A_40 = arith.constant 0 : i32
    %dma_start3A_41 = tpu.memref_slice %arg3[%dma_start3A_39, %dma_start3A_40] : memref<65536x128xf32, #tpu.memory_space<hbm>> -> memref<65536x128xf32, #tpu.memory_space<hbm>>
    tpu.enqueue_indirect_dma source(%dma_start3A_41 : memref<65536x128xf32, #tpu.memory_space<hbm>>) target(%dma_start3A_36 : memref<64x128xf32, #tpu.memory_space<vmem>>) offsets(%dma_start3A_38 : memref<64xi32, #tpu.memory_space<vmem>>) semaphore(%arg11 : memref<!tpu.dma_semaphore, #tpu.memory_space<semaphore_mem>>)
    %dma_start3A_42 = arith.constant 4 : i32
    %dma_start3A_43 = arith.constant 0 : i32
    %dma_start3A_44 = arith.constant 0 : i32
    %dma_start3A_45 = tpu.memref_slice %arg7[%dma_start3A_42, %dma_start3A_43, %dma_start3A_44] : memref<8x64x128xf32, #tpu.memory_space<vmem>> -> memref<1x64x128xf32, #tpu.memory_space<vmem>>
    %dma_start3A_46 = tpu.memref_squeeze %dma_start3A_45 : memref<1x64x128xf32, #tpu.memory_space<vmem>> -> memref<64x128xf32, #tpu.memory_space<vmem>>
    %dma_start3A_47 = arith.constant 256 : i32
    %dma_start3A_48 = tpu.memref_slice %arg5[%dma_start3A_47] : memref<4096xi32, #tpu.memory_space<vmem>> -> memref<64xi32, #tpu.memory_space<vmem>>
    %dma_start3A_49 = arith.constant 0 : i32
    %dma_start3A_50 = arith.constant 0 : i32
    %dma_start3A_51 = tpu.memref_slice %arg3[%dma_start3A_49, %dma_start3A_50] : memref<65536x128xf32, #tpu.memory_space<hbm>> -> memref<65536x128xf32, #tpu.memory_space<hbm>>
    tpu.enqueue_indirect_dma source(%dma_start3A_51 : memref<65536x128xf32, #tpu.memory_space<hbm>>) target(%dma_start3A_46 : memref<64x128xf32, #tpu.memory_space<vmem>>) offsets(%dma_start3A_48 : memref<64xi32, #tpu.memory_space<vmem>>) semaphore(%arg12 : memref<!tpu.dma_semaphore, #tpu.memory_space<semaphore_mem>>)
    %dma_start3A_52 = arith.constant 5 : i32
    %dma_start3A_53 = arith.constant 0 : i32
    %dma_start3A_54 = arith.constant 0 : i32
    %dma_start3A_55 = tpu.memref_slice %arg7[%dma_start3A_52, %dma_start3A_53, %dma_start3A_54] : memref<8x64x128xf32, #tpu.memory_space<vmem>> -> memref<1x64x128xf32, #tpu.memory_space<vmem>>
    %dma_start3A_56 = tpu.memref_squeeze %dma_start3A_55 : memref<1x64x128xf32, #tpu.memory_space<vmem>> -> memref<64x128xf32, #tpu.memory_space<vmem>>
    %dma_start3A_57 = arith.constant 320 : i32
    %dma_start3A_58 = tpu.memref_slice %arg5[%dma_start3A_57] : memref<4096xi32, #tpu.memory_space<vmem>> -> memref<64xi32, #tpu.memory_space<vmem>>
    %dma_start3A_59 = arith.constant 0 : i32
    %dma_start3A_60 = arith.constant 0 : i32
    %dma_start3A_61 = tpu.memref_slice %arg3[%dma_start3A_59, %dma_start3A_60] : memref<65536x128xf32, #tpu.memory_space<hbm>> -> memref<65536x128xf32, #tpu.memory_space<hbm>>
    tpu.enqueue_indirect_dma source(%dma_start3A_61 : memref<65536x128xf32, #tpu.memory_space<hbm>>) target(%dma_start3A_56 : memref<64x128xf32, #tpu.memory_space<vmem>>) offsets(%dma_start3A_58 : memref<64xi32, #tpu.memory_space<vmem>>) semaphore(%arg13 : memref<!tpu.dma_semaphore, #tpu.memory_space<semaphore_mem>>)
    %iota3A = tpu.iota {dimensions = array<i32: 0>} : vector<16xi32>
    %mul3A_62 = arith.constant 4096 : i32
    %mul3A_63 = arith.muli %add3A, %mul3A_62 : i32
    %scan3A = arith.constant 0 : i32
    %scan3A_64 = arith.constant 256 : i32
    %scan3A_65 = arith.addi %scan3A, %scan3A_64 : i32
    %scan3A_66 = arith.constant 1 : i32
    scf.for %scan3A_96 = %scan3A to %scan3A_65 step %scan3A_66  : i32 {
      %mul3A_97 = arith.constant 1 : i32
      %mul3A_98 = arith.muli %scan3A_96, %mul3A_97 : i32
      %add3A_99 = arith.constant 0 : i32
      %add3A_100 = arith.addi %add3A_99, %mul3A_98 : i32
      %mul3A_101 = arith.constant 16 : i32
      %mul3A_102 = arith.muli %add3A_100, %mul3A_101 : i32
      %add3A_103 = arith.addi %mul3A_63, %mul3A_102 : i32
      %add3A_104 = vector.broadcast %add3A_103 : i32 to vector<16xi32>
      %add3A_105 = arith.addi %add3A_104, %iota3A : vector<16xi32>
      %and3A = arith.constant 7 : i32
      %and3A_106 = vector.broadcast %and3A : i32 to vector<16xi32>
      %and3A_107 = arith.andi %add3A_105, %and3A_106 : vector<16xi32>
      %shift_right_arithmetic3A = arith.constant 3 : i32
      %shift_right_arithmetic3A_108 = vector.broadcast %shift_right_arithmetic3A : i32 to vector<16xi32>
      %shift_right_arithmetic3A_109 = arith.shrsi %add3A_105, %shift_right_arithmetic3A_108 : vector<16xi32>
      %and3A_110 = arith.constant 31 : i32
      %and3A_111 = vector.broadcast %and3A_110 : i32 to vector<16xi32>
      %and3A_112 = arith.andi %shift_right_arithmetic3A_109, %and3A_111 : vector<16xi32>
      %shift_right_arithmetic3A_113 = arith.constant 5 : i32
      %shift_right_arithmetic3A_114 = vector.broadcast %shift_right_arithmetic3A_113 : i32 to vector<16xi32>
      %shift_right_arithmetic3A_115 = arith.shrsi %shift_right_arithmetic3A_109, %shift_right_arithmetic3A_114 : vector<16xi32>
      %and3A_116 = arith.constant 31 : i32
      %and3A_117 = vector.broadcast %and3A_116 : i32 to vector<16xi32>
      %and3A_118 = arith.andi %shift_right_arithmetic3A_115, %and3A_117 : vector<16xi32>
      %shift_right_arithmetic3A_119 = arith.constant 10 : i32
      %shift_right_arithmetic3A_120 = vector.broadcast %shift_right_arithmetic3A_119 : i32 to vector<16xi32>
      %shift_right_arithmetic3A_121 = arith.shrsi %shift_right_arithmetic3A_109, %shift_right_arithmetic3A_120 : vector<16xi32>
      %shift_right_arithmetic3A_122 = arith.constant 1 : i32
      %shift_right_arithmetic3A_123 = vector.broadcast %shift_right_arithmetic3A_122 : i32 to vector<16xi32>
      %shift_right_arithmetic3A_124 = arith.shrsi %shift_right_arithmetic3A_121, %shift_right_arithmetic3A_123 : vector<16xi32>
      %mul3A_125 = arith.constant 16384 : i32
      %mul3A_126 = vector.broadcast %mul3A_125 : i32 to vector<16xi32>
      %mul3A_127 = arith.muli %shift_right_arithmetic3A_124, %mul3A_126 : vector<16xi32>
      %shift_right_arithmetic3A_128 = arith.constant 1 : i32
      %shift_right_arithmetic3A_129 = vector.broadcast %shift_right_arithmetic3A_128 : i32 to vector<16xi32>
      %shift_right_arithmetic3A_130 = arith.shrsi %and3A_118, %shift_right_arithmetic3A_129 : vector<16xi32>
      %mul3A_131 = arith.constant 1024 : i32
      %mul3A_132 = vector.broadcast %mul3A_131 : i32 to vector<16xi32>
      %mul3A_133 = arith.muli %shift_right_arithmetic3A_130, %mul3A_132 : vector<16xi32>
      %add3A_134 = arith.addi %mul3A_127, %mul3A_133 : vector<16xi32>
      %shift_right_arithmetic3A_135 = arith.constant 1 : i32
      %shift_right_arithmetic3A_136 = vector.broadcast %shift_right_arithmetic3A_135 : i32 to vector<16xi32>
      %shift_right_arithmetic3A_137 = arith.shrsi %and3A_112, %shift_right_arithmetic3A_136 : vector<16xi32>
      %mul3A_138 = arith.constant 64 : i32
      %mul3A_139 = vector.broadcast %mul3A_138 : i32 to vector<16xi32>
      %mul3A_140 = arith.muli %shift_right_arithmetic3A_137, %mul3A_139 : vector<16xi32>
      %add3A_141 = arith.addi %add3A_134, %mul3A_140 : vector<16xi32>
      %and3A_142 = arith.constant 1 : i32
      %and3A_143 = vector.broadcast %and3A_142 : i32 to vector<16xi32>
      %and3A_144 = arith.andi %and3A_112, %and3A_143 : vector<16xi32>
      %mul3A_145 = arith.constant 32 : i32
      %mul3A_146 = vector.broadcast %mul3A_145 : i32 to vector<16xi32>
      %mul3A_147 = arith.muli %and3A_144, %mul3A_146 : vector<16xi32>
      %add3A_148 = arith.addi %add3A_141, %mul3A_147 : vector<16xi32>
      %and3A_149 = arith.constant 1 : i32
      %and3A_150 = vector.broadcast %and3A_149 : i32 to vector<16xi32>
      %and3A_151 = arith.andi %and3A_118, %and3A_150 : vector<16xi32>
      %mul3A_152 = arith.constant 16 : i32
      %mul3A_153 = vector.broadcast %mul3A_152 : i32 to vector<16xi32>
      %mul3A_154 = arith.muli %and3A_151, %mul3A_153 : vector<16xi32>
      %add3A_155 = arith.addi %add3A_148, %mul3A_154 : vector<16xi32>
      %and3A_156 = arith.constant 1 : i32
      %and3A_157 = vector.broadcast %and3A_156 : i32 to vector<16xi32>
      %and3A_158 = arith.andi %shift_right_arithmetic3A_121, %and3A_157 : vector<16xi32>
      %mul3A_159 = arith.constant 8 : i32
      %mul3A_160 = vector.broadcast %mul3A_159 : i32 to vector<16xi32>
      %mul3A_161 = arith.muli %and3A_158, %mul3A_160 : vector<16xi32>
      %add3A_162 = arith.addi %add3A_155, %mul3A_161 : vector<16xi32>
      %add3A_163 = arith.addi %add3A_162, %and3A_107 : vector<16xi32>
      %jit3A = arith.constant 4 : i32
      %div3A = arith.divsi %add3A_100, %jit3A : i32
      %sign3A = arith.constant 0 : i32
      %sign3A_164 = arith.cmpi sgt, %add3A_100, %sign3A : i32
      %sign3A_165 = arith.extui %sign3A_164 : i1 to i32
      %sign3A_166 = arith.constant 0 : i32
      %sign3A_167 = arith.cmpi slt, %add3A_100, %sign3A_166 : i32
      %sign3A_168 = arith.extui %sign3A_167 : i1 to i32
      %sign3A_169 = arith.subi %sign3A_165, %sign3A_168 : i32
      %sign3A_170 = arith.constant 0 : i32
      %sign3A_171 = arith.cmpi sgt, %jit3A, %sign3A_170 : i32
      %sign3A_172 = arith.extui %sign3A_171 : i1 to i32
      %sign3A_173 = arith.constant 0 : i32
      %sign3A_174 = arith.cmpi slt, %jit3A, %sign3A_173 : i32
      %sign3A_175 = arith.extui %sign3A_174 : i1 to i32
      %sign3A_176 = arith.subi %sign3A_172, %sign3A_175 : i32
      %ne3A = arith.cmpi ne, %sign3A_169, %sign3A_176 : i32
      %rem3A = arith.remsi %add3A_100, %jit3A : i32
      %ne3A_177 = arith.constant 0 : i32
      %ne3A_178 = arith.cmpi ne, %rem3A, %ne3A_177 : i32
      %and3A_179 = arith.andi %ne3A, %ne3A_178 : i1
      %sub3A = arith.constant 1 : i32
      %sub3A_180 = arith.subi %div3A, %sub3A : i32
      %select_n3A = arith.select %and3A_179, %sub3A_180, %div3A : i32
      %jit3A_181 = arith.constant 4 : i32
      %eq3A = arith.constant 0 : i32
      %eq3A_182 = arith.cmpi eq, %jit3A_181, %eq3A : i32
      %jit3A_183 = arith.constant 1 : i32
      %select_n3A_184 = arith.select %eq3A_182, %jit3A_183, %jit3A_181 : i32
      %rem3A_185 = arith.remsi %add3A_100, %select_n3A_184 : i32
      %ne3A_186 = arith.constant 0 : i32
      %ne3A_187 = arith.cmpi ne, %rem3A_185, %ne3A_186 : i32
      %lt3A = arith.constant 0 : i32
      %lt3A_188 = arith.cmpi slt, %rem3A_185, %lt3A : i32
      %lt3A_189 = arith.constant 0 : i32
      %lt3A_190 = arith.cmpi slt, %select_n3A_184, %lt3A_189 : i32
      %ne3A_191 = arith.xori %lt3A_188, %lt3A_190 : i1
      %and3A_192 = arith.andi %ne3A_191, %ne3A_187 : i1
      %add3A_193 = arith.addi %rem3A_185, %select_n3A_184 : i32
      %select_n3A_194 = arith.select %and3A_192, %add3A_193, %rem3A_185 : i32
      %mul3A_195 = arith.constant 16 : i32
      %mul3A_196 = arith.muli %select_n3A_194, %mul3A_195 : i32
      %swap3A = arith.index_cast %select_n3A : i32 to index
      %swap3A_197 = arith.index_cast %mul3A_196 : i32 to index
      %swap3A_198 = tpu.vector_load %arg6[%swap3A, %swap3A_197] {strides = array<i32>} : memref<64x64xi32, #tpu.memory_space<vmem>>, vector<1x16xi32>,
      %swap3A_199 = vector.shape_cast %swap3A_198 : vector<1x16xi32> to vector<16xi32>
      %swap3A_200 = vector.shape_cast %add3A_163 : vector<16xi32> to vector<1x16xi32>
      tpu.vector_store %arg6[%swap3A, %swap3A_197], %swap3A_200 {strides = array<i32>} : memref<64x64xi32, #tpu.memory_space<vmem>>, vector<1x16xi32>,
    }
    %scan3A_67 = arith.constant 256 : i32
    %scan3A_68 = arith.constant 0 : i32
    %scan3A_69 = arith.constant 8 : i32
    %scan3A_70 = arith.addi %scan3A_68, %scan3A_69 : i32
    %scan3A_71 = arith.constant 1 : i32
    scf.for %scan3A_96 = %scan3A_68 to %scan3A_70 step %scan3A_71  : i32 {
      %mul3A_97 = arith.constant 8 : i32
      %mul3A_98 = arith.muli %scan3A_96, %mul3A_97 : i32
      %add3A_99 = arith.constant 0 : i32
      %add3A_100 = arith.addi %add3A_99, %mul3A_98 : i32
      %add3A_101 = arith.constant 0 : i32
      %add3A_102 = arith.addi %add3A_100, %add3A_101 : i32
      %mul3A_103 = arith.constant 64 : i32
      %mul3A_104 = arith.muli %add3A_102, %mul3A_103 : i32
      %dma_wait3A_105 = arith.constant 0 : i32
      %dma_wait3A_106 = arith.constant 0 : i32
      %dma_wait3A_107 = arith.constant 0 : i32
      %dma_wait3A_108 = tpu.memref_slice %arg7[%dma_wait3A_105, %dma_wait3A_106, %dma_wait3A_107] : memref<8x64x128xf32, #tpu.memory_space<vmem>> -> memref<1x64x128xf32, #tpu.memory_space<vmem>>
      %dma_wait3A_109 = tpu.memref_squeeze %dma_wait3A_108 : memref<1x64x128xf32, #tpu.memory_space<vmem>> -> memref<64x128xf32, #tpu.memory_space<vmem>>
      %dma_wait3A_110 = tpu.memref_slice %arg5[%mul3A_104] : memref<4096xi32, #tpu.memory_space<vmem>> -> memref<64xi32, #tpu.memory_space<vmem>>
      %dma_wait3A_111 = arith.constant 0 : i32
      %dma_wait3A_112 = arith.constant 0 : i32
      %dma_wait3A_113 = tpu.memref_slice %arg3[%dma_wait3A_111, %dma_wait3A_112] : memref<65536x128xf32, #tpu.memory_space<hbm>> -> memref<65536x128xf32, #tpu.memory_space<hbm>>
      tpu.wait_indirect_dma semaphore(%arg8 : memref<!tpu.dma_semaphore, #tpu.memory_space<semaphore_mem>>) src(%dma_wait3A_113 : memref<65536x128xf32, #tpu.memory_space<hbm>>) dst(%dma_wait3A_109 : memref<64x128xf32, #tpu.memory_space<vmem>>)
      %add3A_114 = arith.constant 6 : i32
      %add3A_115 = arith.addi %add3A_102, %add3A_114 : i32
      %ge3A = arith.constant 8 : i32
      %ge3A_116 = arith.cmpi sge, %add3A_115, %ge3A : i32
      %convert_element_type3A = arith.extui %ge3A_116 : i1 to i32
      %cond3A = arith.constant 0 : i32
      %cond3A_117 = arith.cmpi ne, %convert_element_type3A, %cond3A : i32
      scf.if %cond3A_117 {
        %sub3A = arith.constant 8 : i32
        %sub3A_385 = arith.subi %add3A_115, %sub3A : i32
        %dma_wait3A_386 = arith.constant 6 : i32
        %dma_wait3A_387 = arith.constant 0 : i32
        %dma_wait3A_388 = arith.constant 0 : i32
        %dma_wait3A_389 = tpu.memref_slice %arg7[%dma_wait3A_386, %dma_wait3A_387, %dma_wait3A_388] : memref<8x64x128xf32, #tpu.memory_space<vmem>> -> memref<1x64x128xf32, #tpu.memory_space<vmem>>
        %dma_wait3A_390 = tpu.memref_squeeze %dma_wait3A_389 : memref<1x64x128xf32, #tpu.memory_space<vmem>> -> memref<64x128xf32, #tpu.memory_space<vmem>>
        %dma_wait3A_391 = arith.constant 0 : i32
        %dma_wait3A_392 = tpu.memref_slice %arg6[%sub3A_385, %dma_wait3A_391] : memref<64x64xi32, #tpu.memory_space<vmem>> -> memref<1x64xi32, #tpu.memory_space<vmem>>
        %dma_wait3A_393 = tpu.memref_squeeze %dma_wait3A_392 : memref<1x64xi32, #tpu.memory_space<vmem>> -> memref<64xi32, #tpu.memory_space<vmem>>
        %dma_wait3A_394 = arith.constant 0 : i32
        %dma_wait3A_395 = arith.constant 0 : i32
        %dma_wait3A_396 = tpu.memref_slice %arg4[%dma_wait3A_394, %dma_wait3A_395] : memref<131072x128xf32, #tpu.memory_space<hbm>> -> memref<131072x128xf32, #tpu.memory_space<hbm>>
        tpu.wait_indirect_dma semaphore(%arg22 : memref<!tpu.dma_semaphore, #tpu.memory_space<semaphore_mem>>) src(%dma_wait3A_390 : memref<64x128xf32, #tpu.memory_space<vmem>>) dst(%dma_wait3A_396 : memref<131072x128xf32, #tpu.memory_space<hbm>>)
      } else {
      }
      %lt3A = arith.constant 64 : i32
      %lt3A_118 = arith.cmpi slt, %add3A_115, %lt3A : i32
      %convert_element_type3A_119 = arith.extui %lt3A_118 : i1 to i32
      %cond3A_120 = arith.constant 0 : i32
      %cond3A_121 = arith.cmpi ne, %convert_element_type3A_119, %cond3A_120 : i32
      scf.if %cond3A_121 {
        %mul3A_385 = arith.constant 64 : i32
        %mul3A_386 = arith.muli %add3A_115, %mul3A_385 : i32
        %dma_start3A_387 = arith.constant 6 : i32
        %dma_start3A_388 = arith.constant 0 : i32
        %dma_start3A_389 = arith.constant 0 : i32
        %dma_start3A_390 = tpu.memref_slice %arg7[%dma_start3A_387, %dma_start3A_388, %dma_start3A_389] : memref<8x64x128xf32, #tpu.memory_space<vmem>> -> memref<1x64x128xf32, #tpu.memory_space<vmem>>
        %dma_start3A_391 = tpu.memref_squeeze %dma_start3A_390 : memref<1x64x128xf32, #tpu.memory_space<vmem>> -> memref<64x128xf32, #tpu.memory_space<vmem>>
        %dma_start3A_392 = tpu.memref_slice %arg5[%mul3A_386] : memref<4096xi32, #tpu.memory_space<vmem>> -> memref<64xi32, #tpu.memory_space<vmem>>
        %dma_start3A_393 = arith.constant 0 : i32
        %dma_start3A_394 = arith.constant 0 : i32
        %dma_start3A_395 = tpu.memref_slice %arg3[%dma_start3A_393, %dma_start3A_394] : memref<65536x128xf32, #tpu.memory_space<hbm>> -> memref<65536x128xf32, #tpu.memory_space<hbm>>
        tpu.enqueue_indirect_dma source(%dma_start3A_395 : memref<65536x128xf32, #tpu.memory_space<hbm>>) target(%dma_start3A_391 : memref<64x128xf32, #tpu.memory_space<vmem>>) offsets(%dma_start3A_392 : memref<64xi32, #tpu.memory_space<vmem>>) semaphore(%arg14 : memref<!tpu.dma_semaphore, #tpu.memory_space<semaphore_mem>>)
      } else {
      }
      %dma_start3A_122 = arith.constant 0 : i32
      %dma_start3A_123 = arith.constant 0 : i32
      %dma_start3A_124 = arith.constant 0 : i32
      %dma_start3A_125 = tpu.memref_slice %arg7[%dma_start3A_122, %dma_start3A_123, %dma_start3A_124] : memref<8x64x128xf32, #tpu.memory_space<vmem>> -> memref<1x64x128xf32, #tpu.memory_space<vmem>>
      %dma_start3A_126 = tpu.memref_squeeze %dma_start3A_125 : memref<1x64x128xf32, #tpu.memory_space<vmem>> -> memref<64x128xf32, #tpu.memory_space<vmem>>
      %dma_start3A_127 = arith.constant 0 : i32
      %dma_start3A_128 = tpu.memref_slice %arg6[%add3A_102, %dma_start3A_127] : memref<64x64xi32, #tpu.memory_space<vmem>> -> memref<1x64xi32, #tpu.memory_space<vmem>>
      %dma_start3A_129 = tpu.memref_squeeze %dma_start3A_128 : memref<1x64xi32, #tpu.memory_space<vmem>> -> memref<64xi32, #tpu.memory_space<vmem>>
      %dma_start3A_130 = arith.constant 0 : i32
      %dma_start3A_131 = arith.constant 0 : i32
      %dma_start3A_132 = tpu.memref_slice %arg4[%dma_start3A_130, %dma_start3A_131] : memref<131072x128xf32, #tpu.memory_space<hbm>> -> memref<131072x128xf32, #tpu.memory_space<hbm>>
      tpu.enqueue_indirect_dma source(%dma_start3A_126 : memref<64x128xf32, #tpu.memory_space<vmem>>) target(%dma_start3A_132 : memref<131072x128xf32, #tpu.memory_space<hbm>>) offsets(%dma_start3A_129 : memref<64xi32, #tpu.memory_space<vmem>>) semaphore(%arg16 : memref<!tpu.dma_semaphore, #tpu.memory_space<semaphore_mem>>)
      %add3A_133 = arith.constant 1 : i32
      %add3A_134 = arith.addi %add3A_100, %add3A_133 : i32
      %mul3A_135 = arith.constant 64 : i32
      %mul3A_136 = arith.muli %add3A_134, %mul3A_135 : i32
      %dma_wait3A_137 = arith.constant 1 : i32
      %dma_wait3A_138 = arith.constant 0 : i32
      %dma_wait3A_139 = arith.constant 0 : i32
      %dma_wait3A_140 = tpu.memref_slice %arg7[%dma_wait3A_137, %dma_wait3A_138, %dma_wait3A_139] : memref<8x64x128xf32, #tpu.memory_space<vmem>> -> memref<1x64x128xf32, #tpu.memory_space<vmem>>
      %dma_wait3A_141 = tpu.memref_squeeze %dma_wait3A_140 : memref<1x64x128xf32, #tpu.memory_space<vmem>> -> memref<64x128xf32, #tpu.memory_space<vmem>>
      %dma_wait3A_142 = tpu.memref_slice %arg5[%mul3A_136] : memref<4096xi32, #tpu.memory_space<vmem>> -> memref<64xi32, #tpu.memory_space<vmem>>
      %dma_wait3A_143 = arith.constant 0 : i32
      %dma_wait3A_144 = arith.constant 0 : i32
      %dma_wait3A_145 = tpu.memref_slice %arg3[%dma_wait3A_143, %dma_wait3A_144] : memref<65536x128xf32, #tpu.memory_space<hbm>> -> memref<65536x128xf32, #tpu.memory_space<hbm>>
      tpu.wait_indirect_dma semaphore(%arg9 : memref<!tpu.dma_semaphore, #tpu.memory_space<semaphore_mem>>) src(%dma_wait3A_145 : memref<65536x128xf32, #tpu.memory_space<hbm>>) dst(%dma_wait3A_141 : memref<64x128xf32, #tpu.memory_space<vmem>>)
      %add3A_146 = arith.constant 6 : i32
      %add3A_147 = arith.addi %add3A_134, %add3A_146 : i32
      %ge3A_148 = arith.constant 8 : i32
      %ge3A_149 = arith.cmpi sge, %add3A_147, %ge3A_148 : i32
      %convert_element_type3A_150 = arith.extui %ge3A_149 : i1 to i32
      %cond3A_151 = arith.constant 0 : i32
      %cond3A_152 = arith.cmpi ne, %convert_element_type3A_150, %cond3A_151 : i32
      scf.if %cond3A_152 {
        %sub3A = arith.constant 8 : i32
        %sub3A_385 = arith.subi %add3A_147, %sub3A : i32
        %dma_wait3A_386 = arith.constant 7 : i32
        %dma_wait3A_387 = arith.constant 0 : i32
        %dma_wait3A_388 = arith.constant 0 : i32
        %dma_wait3A_389 = tpu.memref_slice %arg7[%dma_wait3A_386, %dma_wait3A_387, %dma_wait3A_388] : memref<8x64x128xf32, #tpu.memory_space<vmem>> -> memref<1x64x128xf32, #tpu.memory_space<vmem>>
        %dma_wait3A_390 = tpu.memref_squeeze %dma_wait3A_389 : memref<1x64x128xf32, #tpu.memory_space<vmem>> -> memref<64x128xf32, #tpu.memory_space<vmem>>
        %dma_wait3A_391 = arith.constant 0 : i32
        %dma_wait3A_392 = tpu.memref_slice %arg6[%sub3A_385, %dma_wait3A_391] : memref<64x64xi32, #tpu.memory_space<vmem>> -> memref<1x64xi32, #tpu.memory_space<vmem>>
        %dma_wait3A_393 = tpu.memref_squeeze %dma_wait3A_392 : memref<1x64xi32, #tpu.memory_space<vmem>> -> memref<64xi32, #tpu.memory_space<vmem>>
        %dma_wait3A_394 = arith.constant 0 : i32
        %dma_wait3A_395 = arith.constant 0 : i32
        %dma_wait3A_396 = tpu.memref_slice %arg4[%dma_wait3A_394, %dma_wait3A_395] : memref<131072x128xf32, #tpu.memory_space<hbm>> -> memref<131072x128xf32, #tpu.memory_space<hbm>>
        tpu.wait_indirect_dma semaphore(%arg23 : memref<!tpu.dma_semaphore, #tpu.memory_space<semaphore_mem>>) src(%dma_wait3A_390 : memref<64x128xf32, #tpu.memory_space<vmem>>) dst(%dma_wait3A_396 : memref<131072x128xf32, #tpu.memory_space<hbm>>)
      } else {
      }
      %lt3A_153 = arith.constant 64 : i32
      %lt3A_154 = arith.cmpi slt, %add3A_147, %lt3A_153 : i32
      %convert_element_type3A_155 = arith.extui %lt3A_154 : i1 to i32
      %cond3A_156 = arith.constant 0 : i32
      %cond3A_157 = arith.cmpi ne, %convert_element_type3A_155, %cond3A_156 : i32
      scf.if %cond3A_157 {
        %mul3A_385 = arith.constant 64 : i32
        %mul3A_386 = arith.muli %add3A_147, %mul3A_385 : i32
        %dma_start3A_387 = arith.constant 7 : i32
        %dma_start3A_388 = arith.constant 0 : i32
        %dma_start3A_389 = arith.constant 0 : i32
        %dma_start3A_390 = tpu.memref_slice %arg7[%dma_start3A_387, %dma_start3A_388, %dma_start3A_389] : memref<8x64x128xf32, #tpu.memory_space<vmem>> -> memref<1x64x128xf32, #tpu.memory_space<vmem>>
        %dma_start3A_391 = tpu.memref_squeeze %dma_start3A_390 : memref<1x64x128xf32, #tpu.memory_space<vmem>> -> memref<64x128xf32, #tpu.memory_space<vmem>>
        %dma_start3A_392 = tpu.memref_slice %arg5[%mul3A_386] : memref<4096xi32, #tpu.memory_space<vmem>> -> memref<64xi32, #tpu.memory_space<vmem>>
        %dma_start3A_393 = arith.constant 0 : i32
        %dma_start3A_394 = arith.constant 0 : i32
        %dma_start3A_395 = tpu.memref_slice %arg3[%dma_start3A_393, %dma_start3A_394] : memref<65536x128xf32, #tpu.memory_space<hbm>> -> memref<65536x128xf32, #tpu.memory_space<hbm>>
        tpu.enqueue_indirect_dma source(%dma_start3A_395 : memref<65536x128xf32, #tpu.memory_space<hbm>>) target(%dma_start3A_391 : memref<64x128xf32, #tpu.memory_space<vmem>>) offsets(%dma_start3A_392 : memref<64xi32, #tpu.memory_space<vmem>>) semaphore(%arg15 : memref<!tpu.dma_semaphore, #tpu.memory_space<semaphore_mem>>)
      } else {
      }
      %dma_start3A_158 = arith.constant 1 : i32
      %dma_start3A_159 = arith.constant 0 : i32
      %dma_start3A_160 = arith.constant 0 : i32
      %dma_start3A_161 = tpu.memref_slice %arg7[%dma_start3A_158, %dma_start3A_159, %dma_start3A_160] : memref<8x64x128xf32, #tpu.memory_space<vmem>> -> memref<1x64x128xf32, #tpu.memory_space<vmem>>
      %dma_start3A_162 = tpu.memref_squeeze %dma_start3A_161 : memref<1x64x128xf32, #tpu.memory_space<vmem>> -> memref<64x128xf32, #tpu.memory_space<vmem>>
      %dma_start3A_163 = arith.constant 0 : i32
      %dma_start3A_164 = tpu.memref_slice %arg6[%add3A_134, %dma_start3A_163] : memref<64x64xi32, #tpu.memory_space<vmem>> -> memref<1x64xi32, #tpu.memory_space<vmem>>
      %dma_start3A_165 = tpu.memref_squeeze %dma_start3A_164 : memref<1x64xi32, #tpu.memory_space<vmem>> -> memref<64xi32, #tpu.memory_space<vmem>>
      %dma_start3A_166 = arith.constant 0 : i32
      %dma_start3A_167 = arith.constant 0 : i32
      %dma_start3A_168 = tpu.memref_slice %arg4[%dma_start3A_166, %dma_start3A_167] : memref<131072x128xf32, #tpu.memory_space<hbm>> -> memref<131072x128xf32, #tpu.memory_space<hbm>>
      tpu.enqueue_indirect_dma source(%dma_start3A_162 : memref<64x128xf32, #tpu.memory_space<vmem>>) target(%dma_start3A_168 : memref<131072x128xf32, #tpu.memory_space<hbm>>) offsets(%dma_start3A_165 : memref<64xi32, #tpu.memory_space<vmem>>) semaphore(%arg17 : memref<!tpu.dma_semaphore, #tpu.memory_space<semaphore_mem>>)
      %add3A_169 = arith.constant 2 : i32
      %add3A_170 = arith.addi %add3A_100, %add3A_169 : i32
      %mul3A_171 = arith.constant 64 : i32
      %mul3A_172 = arith.muli %add3A_170, %mul3A_171 : i32
      %dma_wait3A_173 = arith.constant 2 : i32
      %dma_wait3A_174 = arith.constant 0 : i32
      %dma_wait3A_175 = arith.constant 0 : i32
      %dma_wait3A_176 = tpu.memref_slice %arg7[%dma_wait3A_173, %dma_wait3A_174, %dma_wait3A_175] : memref<8x64x128xf32, #tpu.memory_space<vmem>> -> memref<1x64x128xf32, #tpu.memory_space<vmem>>
      %dma_wait3A_177 = tpu.memref_squeeze %dma_wait3A_176 : memref<1x64x128xf32, #tpu.memory_space<vmem>> -> memref<64x128xf32, #tpu.memory_space<vmem>>
      %dma_wait3A_178 = tpu.memref_slice %arg5[%mul3A_172] : memref<4096xi32, #tpu.memory_space<vmem>> -> memref<64xi32, #tpu.memory_space<vmem>>
      %dma_wait3A_179 = arith.constant 0 : i32
      %dma_wait3A_180 = arith.constant 0 : i32
      %dma_wait3A_181 = tpu.memref_slice %arg3[%dma_wait3A_179, %dma_wait3A_180] : memref<65536x128xf32, #tpu.memory_space<hbm>> -> memref<65536x128xf32, #tpu.memory_space<hbm>>
      tpu.wait_indirect_dma semaphore(%arg10 : memref<!tpu.dma_semaphore, #tpu.memory_space<semaphore_mem>>) src(%dma_wait3A_181 : memref<65536x128xf32, #tpu.memory_space<hbm>>) dst(%dma_wait3A_177 : memref<64x128xf32, #tpu.memory_space<vmem>>)
      %add3A_182 = arith.constant 6 : i32
      %add3A_183 = arith.addi %add3A_170, %add3A_182 : i32
      %ge3A_184 = arith.constant 8 : i32
      %ge3A_185 = arith.cmpi sge, %add3A_183, %ge3A_184 : i32
      %convert_element_type3A_186 = arith.extui %ge3A_185 : i1 to i32
      %cond3A_187 = arith.constant 0 : i32
      %cond3A_188 = arith.cmpi ne, %convert_element_type3A_186, %cond3A_187 : i32
      scf.if %cond3A_188 {
        %sub3A = arith.constant 8 : i32
        %sub3A_385 = arith.subi %add3A_183, %sub3A : i32
        %dma_wait3A_386 = arith.constant 0 : i32
        %dma_wait3A_387 = arith.constant 0 : i32
        %dma_wait3A_388 = arith.constant 0 : i32
        %dma_wait3A_389 = tpu.memref_slice %arg7[%dma_wait3A_386, %dma_wait3A_387, %dma_wait3A_388] : memref<8x64x128xf32, #tpu.memory_space<vmem>> -> memref<1x64x128xf32, #tpu.memory_space<vmem>>
        %dma_wait3A_390 = tpu.memref_squeeze %dma_wait3A_389 : memref<1x64x128xf32, #tpu.memory_space<vmem>> -> memref<64x128xf32, #tpu.memory_space<vmem>>
        %dma_wait3A_391 = arith.constant 0 : i32
        %dma_wait3A_392 = tpu.memref_slice %arg6[%sub3A_385, %dma_wait3A_391] : memref<64x64xi32, #tpu.memory_space<vmem>> -> memref<1x64xi32, #tpu.memory_space<vmem>>
        %dma_wait3A_393 = tpu.memref_squeeze %dma_wait3A_392 : memref<1x64xi32, #tpu.memory_space<vmem>> -> memref<64xi32, #tpu.memory_space<vmem>>
        %dma_wait3A_394 = arith.constant 0 : i32
        %dma_wait3A_395 = arith.constant 0 : i32
        %dma_wait3A_396 = tpu.memref_slice %arg4[%dma_wait3A_394, %dma_wait3A_395] : memref<131072x128xf32, #tpu.memory_space<hbm>> -> memref<131072x128xf32, #tpu.memory_space<hbm>>
        tpu.wait_indirect_dma semaphore(%arg16 : memref<!tpu.dma_semaphore, #tpu.memory_space<semaphore_mem>>) src(%dma_wait3A_390 : memref<64x128xf32, #tpu.memory_space<vmem>>) dst(%dma_wait3A_396 : memref<131072x128xf32, #tpu.memory_space<hbm>>)
      } else {
      }
      %lt3A_189 = arith.constant 64 : i32
      %lt3A_190 = arith.cmpi slt, %add3A_183, %lt3A_189 : i32
      %convert_element_type3A_191 = arith.extui %lt3A_190 : i1 to i32
      %cond3A_192 = arith.constant 0 : i32
      %cond3A_193 = arith.cmpi ne, %convert_element_type3A_191, %cond3A_192 : i32
      scf.if %cond3A_193 {
        %mul3A_385 = arith.constant 64 : i32
        %mul3A_386 = arith.muli %add3A_183, %mul3A_385 : i32
        %dma_start3A_387 = arith.constant 0 : i32
        %dma_start3A_388 = arith.constant 0 : i32
        %dma_start3A_389 = arith.constant 0 : i32
        %dma_start3A_390 = tpu.memref_slice %arg7[%dma_start3A_387, %dma_start3A_388, %dma_start3A_389] : memref<8x64x128xf32, #tpu.memory_space<vmem>> -> memref<1x64x128xf32, #tpu.memory_space<vmem>>
        %dma_start3A_391 = tpu.memref_squeeze %dma_start3A_390 : memref<1x64x128xf32, #tpu.memory_space<vmem>> -> memref<64x128xf32, #tpu.memory_space<vmem>>
        %dma_start3A_392 = tpu.memref_slice %arg5[%mul3A_386] : memref<4096xi32, #tpu.memory_space<vmem>> -> memref<64xi32, #tpu.memory_space<vmem>>
        %dma_start3A_393 = arith.constant 0 : i32
        %dma_start3A_394 = arith.constant 0 : i32
        %dma_start3A_395 = tpu.memref_slice %arg3[%dma_start3A_393, %dma_start3A_394] : memref<65536x128xf32, #tpu.memory_space<hbm>> -> memref<65536x128xf32, #tpu.memory_space<hbm>>
        tpu.enqueue_indirect_dma source(%dma_start3A_395 : memref<65536x128xf32, #tpu.memory_space<hbm>>) target(%dma_start3A_391 : memref<64x128xf32, #tpu.memory_space<vmem>>) offsets(%dma_start3A_392 : memref<64xi32, #tpu.memory_space<vmem>>) semaphore(%arg8 : memref<!tpu.dma_semaphore, #tpu.memory_space<semaphore_mem>>)
      } else {
      }
      %dma_start3A_194 = arith.constant 2 : i32
      %dma_start3A_195 = arith.constant 0 : i32
      %dma_start3A_196 = arith.constant 0 : i32
      %dma_start3A_197 = tpu.memref_slice %arg7[%dma_start3A_194, %dma_start3A_195, %dma_start3A_196] : memref<8x64x128xf32, #tpu.memory_space<vmem>> -> memref<1x64x128xf32, #tpu.memory_space<vmem>>
      %dma_start3A_198 = tpu.memref_squeeze %dma_start3A_197 : memref<1x64x128xf32, #tpu.memory_space<vmem>> -> memref<64x128xf32, #tpu.memory_space<vmem>>
      %dma_start3A_199 = arith.constant 0 : i32
      %dma_start3A_200 = tpu.memref_slice %arg6[%add3A_170, %dma_start3A_199] : memref<64x64xi32, #tpu.memory_space<vmem>> -> memref<1x64xi32, #tpu.memory_space<vmem>>
      %dma_start3A_201 = tpu.memref_squeeze %dma_start3A_200 : memref<1x64xi32, #tpu.memory_space<vmem>> -> memref<64xi32, #tpu.memory_space<vmem>>
      %dma_start3A_202 = arith.constant 0 : i32
      %dma_start3A_203 = arith.constant 0 : i32
      %dma_start3A_204 = tpu.memref_slice %arg4[%dma_start3A_202, %dma_start3A_203] : memref<131072x128xf32, #tpu.memory_space<hbm>> -> memref<131072x128xf32, #tpu.memory_space<hbm>>
      tpu.enqueue_indirect_dma source(%dma_start3A_198 : memref<64x128xf32, #tpu.memory_space<vmem>>) target(%dma_start3A_204 : memref<131072x128xf32, #tpu.memory_space<hbm>>) offsets(%dma_start3A_201 : memref<64xi32, #tpu.memory_space<vmem>>) semaphore(%arg18 : memref<!tpu.dma_semaphore, #tpu.memory_space<semaphore_mem>>)
      %add3A_205 = arith.constant 3 : i32
      %add3A_206 = arith.addi %add3A_100, %add3A_205 : i32
      %mul3A_207 = arith.constant 64 : i32
      %mul3A_208 = arith.muli %add3A_206, %mul3A_207 : i32
      %dma_wait3A_209 = arith.constant 3 : i32
      %dma_wait3A_210 = arith.constant 0 : i32
      %dma_wait3A_211 = arith.constant 0 : i32
      %dma_wait3A_212 = tpu.memref_slice %arg7[%dma_wait3A_209, %dma_wait3A_210, %dma_wait3A_211] : memref<8x64x128xf32, #tpu.memory_space<vmem>> -> memref<1x64x128xf32, #tpu.memory_space<vmem>>
      %dma_wait3A_213 = tpu.memref_squeeze %dma_wait3A_212 : memref<1x64x128xf32, #tpu.memory_space<vmem>> -> memref<64x128xf32, #tpu.memory_space<vmem>>
      %dma_wait3A_214 = tpu.memref_slice %arg5[%mul3A_208] : memref<4096xi32, #tpu.memory_space<vmem>> -> memref<64xi32, #tpu.memory_space<vmem>>
      %dma_wait3A_215 = arith.constant 0 : i32
      %dma_wait3A_216 = arith.constant 0 : i32
      %dma_wait3A_217 = tpu.memref_slice %arg3[%dma_wait3A_215, %dma_wait3A_216] : memref<65536x128xf32, #tpu.memory_space<hbm>> -> memref<65536x128xf32, #tpu.memory_space<hbm>>
      tpu.wait_indirect_dma semaphore(%arg11 : memref<!tpu.dma_semaphore, #tpu.memory_space<semaphore_mem>>) src(%dma_wait3A_217 : memref<65536x128xf32, #tpu.memory_space<hbm>>) dst(%dma_wait3A_213 : memref<64x128xf32, #tpu.memory_space<vmem>>)
      %add3A_218 = arith.constant 6 : i32
      %add3A_219 = arith.addi %add3A_206, %add3A_218 : i32
      %ge3A_220 = arith.constant 8 : i32
      %ge3A_221 = arith.cmpi sge, %add3A_219, %ge3A_220 : i32
      %convert_element_type3A_222 = arith.extui %ge3A_221 : i1 to i32
      %cond3A_223 = arith.constant 0 : i32
      %cond3A_224 = arith.cmpi ne, %convert_element_type3A_222, %cond3A_223 : i32
      scf.if %cond3A_224 {
        %sub3A = arith.constant 8 : i32
        %sub3A_385 = arith.subi %add3A_219, %sub3A : i32
        %dma_wait3A_386 = arith.constant 1 : i32
        %dma_wait3A_387 = arith.constant 0 : i32
        %dma_wait3A_388 = arith.constant 0 : i32
        %dma_wait3A_389 = tpu.memref_slice %arg7[%dma_wait3A_386, %dma_wait3A_387, %dma_wait3A_388] : memref<8x64x128xf32, #tpu.memory_space<vmem>> -> memref<1x64x128xf32, #tpu.memory_space<vmem>>
        %dma_wait3A_390 = tpu.memref_squeeze %dma_wait3A_389 : memref<1x64x128xf32, #tpu.memory_space<vmem>> -> memref<64x128xf32, #tpu.memory_space<vmem>>
        %dma_wait3A_391 = arith.constant 0 : i32
        %dma_wait3A_392 = tpu.memref_slice %arg6[%sub3A_385, %dma_wait3A_391] : memref<64x64xi32, #tpu.memory_space<vmem>> -> memref<1x64xi32, #tpu.memory_space<vmem>>
        %dma_wait3A_393 = tpu.memref_squeeze %dma_wait3A_392 : memref<1x64xi32, #tpu.memory_space<vmem>> -> memref<64xi32, #tpu.memory_space<vmem>>
        %dma_wait3A_394 = arith.constant 0 : i32
        %dma_wait3A_395 = arith.constant 0 : i32
        %dma_wait3A_396 = tpu.memref_slice %arg4[%dma_wait3A_394, %dma_wait3A_395] : memref<131072x128xf32, #tpu.memory_space<hbm>> -> memref<131072x128xf32, #tpu.memory_space<hbm>>
        tpu.wait_indirect_dma semaphore(%arg17 : memref<!tpu.dma_semaphore, #tpu.memory_space<semaphore_mem>>) src(%dma_wait3A_390 : memref<64x128xf32, #tpu.memory_space<vmem>>) dst(%dma_wait3A_396 : memref<131072x128xf32, #tpu.memory_space<hbm>>)
      } else {
      }
      %lt3A_225 = arith.constant 64 : i32
      %lt3A_226 = arith.cmpi slt, %add3A_219, %lt3A_225 : i32
      %convert_element_type3A_227 = arith.extui %lt3A_226 : i1 to i32
      %cond3A_228 = arith.constant 0 : i32
      %cond3A_229 = arith.cmpi ne, %convert_element_type3A_227, %cond3A_228 : i32
      scf.if %cond3A_229 {
        %mul3A_385 = arith.constant 64 : i32
        %mul3A_386 = arith.muli %add3A_219, %mul3A_385 : i32
        %dma_start3A_387 = arith.constant 1 : i32
        %dma_start3A_388 = arith.constant 0 : i32
        %dma_start3A_389 = arith.constant 0 : i32
        %dma_start3A_390 = tpu.memref_slice %arg7[%dma_start3A_387, %dma_start3A_388, %dma_start3A_389] : memref<8x64x128xf32, #tpu.memory_space<vmem>> -> memref<1x64x128xf32, #tpu.memory_space<vmem>>
        %dma_start3A_391 = tpu.memref_squeeze %dma_start3A_390 : memref<1x64x128xf32, #tpu.memory_space<vmem>> -> memref<64x128xf32, #tpu.memory_space<vmem>>
        %dma_start3A_392 = tpu.memref_slice %arg5[%mul3A_386] : memref<4096xi32, #tpu.memory_space<vmem>> -> memref<64xi32, #tpu.memory_space<vmem>>
        %dma_start3A_393 = arith.constant 0 : i32
        %dma_start3A_394 = arith.constant 0 : i32
        %dma_start3A_395 = tpu.memref_slice %arg3[%dma_start3A_393, %dma_start3A_394] : memref<65536x128xf32, #tpu.memory_space<hbm>> -> memref<65536x128xf32, #tpu.memory_space<hbm>>
        tpu.enqueue_indirect_dma source(%dma_start3A_395 : memref<65536x128xf32, #tpu.memory_space<hbm>>) target(%dma_start3A_391 : memref<64x128xf32, #tpu.memory_space<vmem>>) offsets(%dma_start3A_392 : memref<64xi32, #tpu.memory_space<vmem>>) semaphore(%arg9 : memref<!tpu.dma_semaphore, #tpu.memory_space<semaphore_mem>>)
      } else {
      }
      %dma_start3A_230 = arith.constant 3 : i32
      %dma_start3A_231 = arith.constant 0 : i32
      %dma_start3A_232 = arith.constant 0 : i32
      %dma_start3A_233 = tpu.memref_slice %arg7[%dma_start3A_230, %dma_start3A_231, %dma_start3A_232] : memref<8x64x128xf32, #tpu.memory_space<vmem>> -> memref<1x64x128xf32, #tpu.memory_space<vmem>>
      %dma_start3A_234 = tpu.memref_squeeze %dma_start3A_233 : memref<1x64x128xf32, #tpu.memory_space<vmem>> -> memref<64x128xf32, #tpu.memory_space<vmem>>
      %dma_start3A_235 = arith.constant 0 : i32
      %dma_start3A_236 = tpu.memref_slice %arg6[%add3A_206, %dma_start3A_235] : memref<64x64xi32, #tpu.memory_space<vmem>> -> memref<1x64xi32, #tpu.memory_space<vmem>>
      %dma_start3A_237 = tpu.memref_squeeze %dma_start3A_236 : memref<1x64xi32, #tpu.memory_space<vmem>> -> memref<64xi32, #tpu.memory_space<vmem>>
      %dma_start3A_238 = arith.constant 0 : i32
      %dma_start3A_239 = arith.constant 0 : i32
      %dma_start3A_240 = tpu.memref_slice %arg4[%dma_start3A_238, %dma_start3A_239] : memref<131072x128xf32, #tpu.memory_space<hbm>> -> memref<131072x128xf32, #tpu.memory_space<hbm>>
      tpu.enqueue_indirect_dma source(%dma_start3A_234 : memref<64x128xf32, #tpu.memory_space<vmem>>) target(%dma_start3A_240 : memref<131072x128xf32, #tpu.memory_space<hbm>>) offsets(%dma_start3A_237 : memref<64xi32, #tpu.memory_space<vmem>>) semaphore(%arg19 : memref<!tpu.dma_semaphore, #tpu.memory_space<semaphore_mem>>)
      %add3A_241 = arith.constant 4 : i32
      %add3A_242 = arith.addi %add3A_100, %add3A_241 : i32
      %mul3A_243 = arith.constant 64 : i32
      %mul3A_244 = arith.muli %add3A_242, %mul3A_243 : i32
      %dma_wait3A_245 = arith.constant 4 : i32
      %dma_wait3A_246 = arith.constant 0 : i32
      %dma_wait3A_247 = arith.constant 0 : i32
      %dma_wait3A_248 = tpu.memref_slice %arg7[%dma_wait3A_245, %dma_wait3A_246, %dma_wait3A_247] : memref<8x64x128xf32, #tpu.memory_space<vmem>> -> memref<1x64x128xf32, #tpu.memory_space<vmem>>
      %dma_wait3A_249 = tpu.memref_squeeze %dma_wait3A_248 : memref<1x64x128xf32, #tpu.memory_space<vmem>> -> memref<64x128xf32, #tpu.memory_space<vmem>>
      %dma_wait3A_250 = tpu.memref_slice %arg5[%mul3A_244] : memref<4096xi32, #tpu.memory_space<vmem>> -> memref<64xi32, #tpu.memory_space<vmem>>
      %dma_wait3A_251 = arith.constant 0 : i32
      %dma_wait3A_252 = arith.constant 0 : i32
      %dma_wait3A_253 = tpu.memref_slice %arg3[%dma_wait3A_251, %dma_wait3A_252] : memref<65536x128xf32, #tpu.memory_space<hbm>> -> memref<65536x128xf32, #tpu.memory_space<hbm>>
      tpu.wait_indirect_dma semaphore(%arg12 : memref<!tpu.dma_semaphore, #tpu.memory_space<semaphore_mem>>) src(%dma_wait3A_253 : memref<65536x128xf32, #tpu.memory_space<hbm>>) dst(%dma_wait3A_249 : memref<64x128xf32, #tpu.memory_space<vmem>>)
      %add3A_254 = arith.constant 6 : i32
      %add3A_255 = arith.addi %add3A_242, %add3A_254 : i32
      %ge3A_256 = arith.constant 8 : i32
      %ge3A_257 = arith.cmpi sge, %add3A_255, %ge3A_256 : i32
      %convert_element_type3A_258 = arith.extui %ge3A_257 : i1 to i32
      %cond3A_259 = arith.constant 0 : i32
      %cond3A_260 = arith.cmpi ne, %convert_element_type3A_258, %cond3A_259 : i32
      scf.if %cond3A_260 {
        %sub3A = arith.constant 8 : i32
        %sub3A_385 = arith.subi %add3A_255, %sub3A : i32
        %dma_wait3A_386 = arith.constant 2 : i32
        %dma_wait3A_387 = arith.constant 0 : i32
        %dma_wait3A_388 = arith.constant 0 : i32
        %dma_wait3A_389 = tpu.memref_slice %arg7[%dma_wait3A_386, %dma_wait3A_387, %dma_wait3A_388] : memref<8x64x128xf32, #tpu.memory_space<vmem>> -> memref<1x64x128xf32, #tpu.memory_space<vmem>>
        %dma_wait3A_390 = tpu.memref_squeeze %dma_wait3A_389 : memref<1x64x128xf32, #tpu.memory_space<vmem>> -> memref<64x128xf32, #tpu.memory_space<vmem>>
        %dma_wait3A_391 = arith.constant 0 : i32
        %dma_wait3A_392 = tpu.memref_slice %arg6[%sub3A_385, %dma_wait3A_391] : memref<64x64xi32, #tpu.memory_space<vmem>> -> memref<1x64xi32, #tpu.memory_space<vmem>>
        %dma_wait3A_393 = tpu.memref_squeeze %dma_wait3A_392 : memref<1x64xi32, #tpu.memory_space<vmem>> -> memref<64xi32, #tpu.memory_space<vmem>>
        %dma_wait3A_394 = arith.constant 0 : i32
        %dma_wait3A_395 = arith.constant 0 : i32
        %dma_wait3A_396 = tpu.memref_slice %arg4[%dma_wait3A_394, %dma_wait3A_395] : memref<131072x128xf32, #tpu.memory_space<hbm>> -> memref<131072x128xf32, #tpu.memory_space<hbm>>
        tpu.wait_indirect_dma semaphore(%arg18 : memref<!tpu.dma_semaphore, #tpu.memory_space<semaphore_mem>>) src(%dma_wait3A_390 : memref<64x128xf32, #tpu.memory_space<vmem>>) dst(%dma_wait3A_396 : memref<131072x128xf32, #tpu.memory_space<hbm>>)
      } else {
      }
      %lt3A_261 = arith.constant 64 : i32
      %lt3A_262 = arith.cmpi slt, %add3A_255, %lt3A_261 : i32
      %convert_element_type3A_263 = arith.extui %lt3A_262 : i1 to i32
      %cond3A_264 = arith.constant 0 : i32
      %cond3A_265 = arith.cmpi ne, %convert_element_type3A_263, %cond3A_264 : i32
      scf.if %cond3A_265 {
        %mul3A_385 = arith.constant 64 : i32
        %mul3A_386 = arith.muli %add3A_255, %mul3A_385 : i32
        %dma_start3A_387 = arith.constant 2 : i32
        %dma_start3A_388 = arith.constant 0 : i32
        %dma_start3A_389 = arith.constant 0 : i32
        %dma_start3A_390 = tpu.memref_slice %arg7[%dma_start3A_387, %dma_start3A_388, %dma_start3A_389] : memref<8x64x128xf32, #tpu.memory_space<vmem>> -> memref<1x64x128xf32, #tpu.memory_space<vmem>>
        %dma_start3A_391 = tpu.memref_squeeze %dma_start3A_390 : memref<1x64x128xf32, #tpu.memory_space<vmem>> -> memref<64x128xf32, #tpu.memory_space<vmem>>
        %dma_start3A_392 = tpu.memref_slice %arg5[%mul3A_386] : memref<4096xi32, #tpu.memory_space<vmem>> -> memref<64xi32, #tpu.memory_space<vmem>>
        %dma_start3A_393 = arith.constant 0 : i32
        %dma_start3A_394 = arith.constant 0 : i32
        %dma_start3A_395 = tpu.memref_slice %arg3[%dma_start3A_393, %dma_start3A_394] : memref<65536x128xf32, #tpu.memory_space<hbm>> -> memref<65536x128xf32, #tpu.memory_space<hbm>>
        tpu.enqueue_indirect_dma source(%dma_start3A_395 : memref<65536x128xf32, #tpu.memory_space<hbm>>) target(%dma_start3A_391 : memref<64x128xf32, #tpu.memory_space<vmem>>) offsets(%dma_start3A_392 : memref<64xi32, #tpu.memory_space<vmem>>) semaphore(%arg10 : memref<!tpu.dma_semaphore, #tpu.memory_space<semaphore_mem>>)
      } else {
      }
      %dma_start3A_266 = arith.constant 4 : i32
      %dma_start3A_267 = arith.constant 0 : i32
      %dma_start3A_268 = arith.constant 0 : i32
      %dma_start3A_269 = tpu.memref_slice %arg7[%dma_start3A_266, %dma_start3A_267, %dma_start3A_268] : memref<8x64x128xf32, #tpu.memory_space<vmem>> -> memref<1x64x128xf32, #tpu.memory_space<vmem>>
      %dma_start3A_270 = tpu.memref_squeeze %dma_start3A_269 : memref<1x64x128xf32, #tpu.memory_space<vmem>> -> memref<64x128xf32, #tpu.memory_space<vmem>>
      %dma_start3A_271 = arith.constant 0 : i32
      %dma_start3A_272 = tpu.memref_slice %arg6[%add3A_242, %dma_start3A_271] : memref<64x64xi32, #tpu.memory_space<vmem>> -> memref<1x64xi32, #tpu.memory_space<vmem>>
      %dma_start3A_273 = tpu.memref_squeeze %dma_start3A_272 : memref<1x64xi32, #tpu.memory_space<vmem>> -> memref<64xi32, #tpu.memory_space<vmem>>
      %dma_start3A_274 = arith.constant 0 : i32
      %dma_start3A_275 = arith.constant 0 : i32
      %dma_start3A_276 = tpu.memref_slice %arg4[%dma_start3A_274, %dma_start3A_275] : memref<131072x128xf32, #tpu.memory_space<hbm>> -> memref<131072x128xf32, #tpu.memory_space<hbm>>
      tpu.enqueue_indirect_dma source(%dma_start3A_270 : memref<64x128xf32, #tpu.memory_space<vmem>>) target(%dma_start3A_276 : memref<131072x128xf32, #tpu.memory_space<hbm>>) offsets(%dma_start3A_273 : memref<64xi32, #tpu.memory_space<vmem>>) semaphore(%arg20 : memref<!tpu.dma_semaphore, #tpu.memory_space<semaphore_mem>>)
      %add3A_277 = arith.constant 5 : i32
      %add3A_278 = arith.addi %add3A_100, %add3A_277 : i32
      %mul3A_279 = arith.constant 64 : i32
      %mul3A_280 = arith.muli %add3A_278, %mul3A_279 : i32
      %dma_wait3A_281 = arith.constant 5 : i32
      %dma_wait3A_282 = arith.constant 0 : i32
      %dma_wait3A_283 = arith.constant 0 : i32
      %dma_wait3A_284 = tpu.memref_slice %arg7[%dma_wait3A_281, %dma_wait3A_282, %dma_wait3A_283] : memref<8x64x128xf32, #tpu.memory_space<vmem>> -> memref<1x64x128xf32, #tpu.memory_space<vmem>>
      %dma_wait3A_285 = tpu.memref_squeeze %dma_wait3A_284 : memref<1x64x128xf32, #tpu.memory_space<vmem>> -> memref<64x128xf32, #tpu.memory_space<vmem>>
      %dma_wait3A_286 = tpu.memref_slice %arg5[%mul3A_280] : memref<4096xi32, #tpu.memory_space<vmem>> -> memref<64xi32, #tpu.memory_space<vmem>>
      %dma_wait3A_287 = arith.constant 0 : i32
      %dma_wait3A_288 = arith.constant 0 : i32
      %dma_wait3A_289 = tpu.memref_slice %arg3[%dma_wait3A_287, %dma_wait3A_288] : memref<65536x128xf32, #tpu.memory_space<hbm>> -> memref<65536x128xf32, #tpu.memory_space<hbm>>
      tpu.wait_indirect_dma semaphore(%arg13 : memref<!tpu.dma_semaphore, #tpu.memory_space<semaphore_mem>>) src(%dma_wait3A_289 : memref<65536x128xf32, #tpu.memory_space<hbm>>) dst(%dma_wait3A_285 : memref<64x128xf32, #tpu.memory_space<vmem>>)
      %add3A_290 = arith.constant 6 : i32
      %add3A_291 = arith.addi %add3A_278, %add3A_290 : i32
      %ge3A_292 = arith.constant 8 : i32
      %ge3A_293 = arith.cmpi sge, %add3A_291, %ge3A_292 : i32
      %convert_element_type3A_294 = arith.extui %ge3A_293 : i1 to i32
      %cond3A_295 = arith.constant 0 : i32
      %cond3A_296 = arith.cmpi ne, %convert_element_type3A_294, %cond3A_295 : i32
      scf.if %cond3A_296 {
        %sub3A = arith.constant 8 : i32
        %sub3A_385 = arith.subi %add3A_291, %sub3A : i32
        %dma_wait3A_386 = arith.constant 3 : i32
        %dma_wait3A_387 = arith.constant 0 : i32
        %dma_wait3A_388 = arith.constant 0 : i32
        %dma_wait3A_389 = tpu.memref_slice %arg7[%dma_wait3A_386, %dma_wait3A_387, %dma_wait3A_388] : memref<8x64x128xf32, #tpu.memory_space<vmem>> -> memref<1x64x128xf32, #tpu.memory_space<vmem>>
        %dma_wait3A_390 = tpu.memref_squeeze %dma_wait3A_389 : memref<1x64x128xf32, #tpu.memory_space<vmem>> -> memref<64x128xf32, #tpu.memory_space<vmem>>
        %dma_wait3A_391 = arith.constant 0 : i32
        %dma_wait3A_392 = tpu.memref_slice %arg6[%sub3A_385, %dma_wait3A_391] : memref<64x64xi32, #tpu.memory_space<vmem>> -> memref<1x64xi32, #tpu.memory_space<vmem>>
        %dma_wait3A_393 = tpu.memref_squeeze %dma_wait3A_392 : memref<1x64xi32, #tpu.memory_space<vmem>> -> memref<64xi32, #tpu.memory_space<vmem>>
        %dma_wait3A_394 = arith.constant 0 : i32
        %dma_wait3A_395 = arith.constant 0 : i32
        %dma_wait3A_396 = tpu.memref_slice %arg4[%dma_wait3A_394, %dma_wait3A_395] : memref<131072x128xf32, #tpu.memory_space<hbm>> -> memref<131072x128xf32, #tpu.memory_space<hbm>>
        tpu.wait_indirect_dma semaphore(%arg19 : memref<!tpu.dma_semaphore, #tpu.memory_space<semaphore_mem>>) src(%dma_wait3A_390 : memref<64x128xf32, #tpu.memory_space<vmem>>) dst(%dma_wait3A_396 : memref<131072x128xf32, #tpu.memory_space<hbm>>)
      } else {
      }
      %lt3A_297 = arith.constant 64 : i32
      %lt3A_298 = arith.cmpi slt, %add3A_291, %lt3A_297 : i32
      %convert_element_type3A_299 = arith.extui %lt3A_298 : i1 to i32
      %cond3A_300 = arith.constant 0 : i32
      %cond3A_301 = arith.cmpi ne, %convert_element_type3A_299, %cond3A_300 : i32
      scf.if %cond3A_301 {
        %mul3A_385 = arith.constant 64 : i32
        %mul3A_386 = arith.muli %add3A_291, %mul3A_385 : i32
        %dma_start3A_387 = arith.constant 3 : i32
        %dma_start3A_388 = arith.constant 0 : i32
        %dma_start3A_389 = arith.constant 0 : i32
        %dma_start3A_390 = tpu.memref_slice %arg7[%dma_start3A_387, %dma_start3A_388, %dma_start3A_389] : memref<8x64x128xf32, #tpu.memory_space<vmem>> -> memref<1x64x128xf32, #tpu.memory_space<vmem>>
        %dma_start3A_391 = tpu.memref_squeeze %dma_start3A_390 : memref<1x64x128xf32, #tpu.memory_space<vmem>> -> memref<64x128xf32, #tpu.memory_space<vmem>>
        %dma_start3A_392 = tpu.memref_slice %arg5[%mul3A_386] : memref<4096xi32, #tpu.memory_space<vmem>> -> memref<64xi32, #tpu.memory_space<vmem>>
        %dma_start3A_393 = arith.constant 0 : i32
        %dma_start3A_394 = arith.constant 0 : i32
        %dma_start3A_395 = tpu.memref_slice %arg3[%dma_start3A_393, %dma_start3A_394] : memref<65536x128xf32, #tpu.memory_space<hbm>> -> memref<65536x128xf32, #tpu.memory_space<hbm>>
        tpu.enqueue_indirect_dma source(%dma_start3A_395 : memref<65536x128xf32, #tpu.memory_space<hbm>>) target(%dma_start3A_391 : memref<64x128xf32, #tpu.memory_space<vmem>>) offsets(%dma_start3A_392 : memref<64xi32, #tpu.memory_space<vmem>>) semaphore(%arg11 : memref<!tpu.dma_semaphore, #tpu.memory_space<semaphore_mem>>)
      } else {
      }
      %dma_start3A_302 = arith.constant 5 : i32
      %dma_start3A_303 = arith.constant 0 : i32
      %dma_start3A_304 = arith.constant 0 : i32
      %dma_start3A_305 = tpu.memref_slice %arg7[%dma_start3A_302, %dma_start3A_303, %dma_start3A_304] : memref<8x64x128xf32, #tpu.memory_space<vmem>> -> memref<1x64x128xf32, #tpu.memory_space<vmem>>
      %dma_start3A_306 = tpu.memref_squeeze %dma_start3A_305 : memref<1x64x128xf32, #tpu.memory_space<vmem>> -> memref<64x128xf32, #tpu.memory_space<vmem>>
      %dma_start3A_307 = arith.constant 0 : i32
      %dma_start3A_308 = tpu.memref_slice %arg6[%add3A_278, %dma_start3A_307] : memref<64x64xi32, #tpu.memory_space<vmem>> -> memref<1x64xi32, #tpu.memory_space<vmem>>
      %dma_start3A_309 = tpu.memref_squeeze %dma_start3A_308 : memref<1x64xi32, #tpu.memory_space<vmem>> -> memref<64xi32, #tpu.memory_space<vmem>>
      %dma_start3A_310 = arith.constant 0 : i32
      %dma_start3A_311 = arith.constant 0 : i32
      %dma_start3A_312 = tpu.memref_slice %arg4[%dma_start3A_310, %dma_start3A_311] : memref<131072x128xf32, #tpu.memory_space<hbm>> -> memref<131072x128xf32, #tpu.memory_space<hbm>>
      tpu.enqueue_indirect_dma source(%dma_start3A_306 : memref<64x128xf32, #tpu.memory_space<vmem>>) target(%dma_start3A_312 : memref<131072x128xf32, #tpu.memory_space<hbm>>) offsets(%dma_start3A_309 : memref<64xi32, #tpu.memory_space<vmem>>) semaphore(%arg21 : memref<!tpu.dma_semaphore, #tpu.memory_space<semaphore_mem>>)
      %add3A_313 = arith.constant 6 : i32
      %add3A_314 = arith.addi %add3A_100, %add3A_313 : i32
      %mul3A_315 = arith.constant 64 : i32
      %mul3A_316 = arith.muli %add3A_314, %mul3A_315 : i32
      %dma_wait3A_317 = arith.constant 6 : i32
      %dma_wait3A_318 = arith.constant 0 : i32
      %dma_wait3A_319 = arith.constant 0 : i32
      %dma_wait3A_320 = tpu.memref_slice %arg7[%dma_wait3A_317, %dma_wait3A_318, %dma_wait3A_319] : memref<8x64x128xf32, #tpu.memory_space<vmem>> -> memref<1x64x128xf32, #tpu.memory_space<vmem>>
      %dma_wait3A_321 = tpu.memref_squeeze %dma_wait3A_320 : memref<1x64x128xf32, #tpu.memory_space<vmem>> -> memref<64x128xf32, #tpu.memory_space<vmem>>
      %dma_wait3A_322 = tpu.memref_slice %arg5[%mul3A_316] : memref<4096xi32, #tpu.memory_space<vmem>> -> memref<64xi32, #tpu.memory_space<vmem>>
      %dma_wait3A_323 = arith.constant 0 : i32
      %dma_wait3A_324 = arith.constant 0 : i32
      %dma_wait3A_325 = tpu.memref_slice %arg3[%dma_wait3A_323, %dma_wait3A_324] : memref<65536x128xf32, #tpu.memory_space<hbm>> -> memref<65536x128xf32, #tpu.memory_space<hbm>>
      tpu.wait_indirect_dma semaphore(%arg14 : memref<!tpu.dma_semaphore, #tpu.memory_space<semaphore_mem>>) src(%dma_wait3A_325 : memref<65536x128xf32, #tpu.memory_space<hbm>>) dst(%dma_wait3A_321 : memref<64x128xf32, #tpu.memory_space<vmem>>)
      %add3A_326 = arith.constant 6 : i32
      %add3A_327 = arith.addi %add3A_314, %add3A_326 : i32
      %ge3A_328 = arith.constant 8 : i32
      %ge3A_329 = arith.cmpi sge, %add3A_327, %ge3A_328 : i32
      %convert_element_type3A_330 = arith.extui %ge3A_329 : i1 to i32
      %cond3A_331 = arith.constant 0 : i32
      %cond3A_332 = arith.cmpi ne, %convert_element_type3A_330, %cond3A_331 : i32
      scf.if %cond3A_332 {
        %sub3A = arith.constant 8 : i32
        %sub3A_385 = arith.subi %add3A_327, %sub3A : i32
        %dma_wait3A_386 = arith.constant 4 : i32
        %dma_wait3A_387 = arith.constant 0 : i32
        %dma_wait3A_388 = arith.constant 0 : i32
        %dma_wait3A_389 = tpu.memref_slice %arg7[%dma_wait3A_386, %dma_wait3A_387, %dma_wait3A_388] : memref<8x64x128xf32, #tpu.memory_space<vmem>> -> memref<1x64x128xf32, #tpu.memory_space<vmem>>
        %dma_wait3A_390 = tpu.memref_squeeze %dma_wait3A_389 : memref<1x64x128xf32, #tpu.memory_space<vmem>> -> memref<64x128xf32, #tpu.memory_space<vmem>>
        %dma_wait3A_391 = arith.constant 0 : i32
        %dma_wait3A_392 = tpu.memref_slice %arg6[%sub3A_385, %dma_wait3A_391] : memref<64x64xi32, #tpu.memory_space<vmem>> -> memref<1x64xi32, #tpu.memory_space<vmem>>
        %dma_wait3A_393 = tpu.memref_squeeze %dma_wait3A_392 : memref<1x64xi32, #tpu.memory_space<vmem>> -> memref<64xi32, #tpu.memory_space<vmem>>
        %dma_wait3A_394 = arith.constant 0 : i32
        %dma_wait3A_395 = arith.constant 0 : i32
        %dma_wait3A_396 = tpu.memref_slice %arg4[%dma_wait3A_394, %dma_wait3A_395] : memref<131072x128xf32, #tpu.memory_space<hbm>> -> memref<131072x128xf32, #tpu.memory_space<hbm>>
        tpu.wait_indirect_dma semaphore(%arg20 : memref<!tpu.dma_semaphore, #tpu.memory_space<semaphore_mem>>) src(%dma_wait3A_390 : memref<64x128xf32, #tpu.memory_space<vmem>>) dst(%dma_wait3A_396 : memref<131072x128xf32, #tpu.memory_space<hbm>>)
      } else {
      }
      %lt3A_333 = arith.constant 64 : i32
      %lt3A_334 = arith.cmpi slt, %add3A_327, %lt3A_333 : i32
      %convert_element_type3A_335 = arith.extui %lt3A_334 : i1 to i32
      %cond3A_336 = arith.constant 0 : i32
      %cond3A_337 = arith.cmpi ne, %convert_element_type3A_335, %cond3A_336 : i32
      scf.if %cond3A_337 {
        %mul3A_385 = arith.constant 64 : i32
        %mul3A_386 = arith.muli %add3A_327, %mul3A_385 : i32
        %dma_start3A_387 = arith.constant 4 : i32
        %dma_start3A_388 = arith.constant 0 : i32
        %dma_start3A_389 = arith.constant 0 : i32
        %dma_start3A_390 = tpu.memref_slice %arg7[%dma_start3A_387, %dma_start3A_388, %dma_start3A_389] : memref<8x64x128xf32, #tpu.memory_space<vmem>> -> memref<1x64x128xf32, #tpu.memory_space<vmem>>
        %dma_start3A_391 = tpu.memref_squeeze %dma_start3A_390 : memref<1x64x128xf32, #tpu.memory_space<vmem>> -> memref<64x128xf32, #tpu.memory_space<vmem>>
        %dma_start3A_392 = tpu.memref_slice %arg5[%mul3A_386] : memref<4096xi32, #tpu.memory_space<vmem>> -> memref<64xi32, #tpu.memory_space<vmem>>
        %dma_start3A_393 = arith.constant 0 : i32
        %dma_start3A_394 = arith.constant 0 : i32
        %dma_start3A_395 = tpu.memref_slice %arg3[%dma_start3A_393, %dma_start3A_394] : memref<65536x128xf32, #tpu.memory_space<hbm>> -> memref<65536x128xf32, #tpu.memory_space<hbm>>
        tpu.enqueue_indirect_dma source(%dma_start3A_395 : memref<65536x128xf32, #tpu.memory_space<hbm>>) target(%dma_start3A_391 : memref<64x128xf32, #tpu.memory_space<vmem>>) offsets(%dma_start3A_392 : memref<64xi32, #tpu.memory_space<vmem>>) semaphore(%arg12 : memref<!tpu.dma_semaphore, #tpu.memory_space<semaphore_mem>>)
      } else {
      }
      %dma_start3A_338 = arith.constant 6 : i32
      %dma_start3A_339 = arith.constant 0 : i32
      %dma_start3A_340 = arith.constant 0 : i32
      %dma_start3A_341 = tpu.memref_slice %arg7[%dma_start3A_338, %dma_start3A_339, %dma_start3A_340] : memref<8x64x128xf32, #tpu.memory_space<vmem>> -> memref<1x64x128xf32, #tpu.memory_space<vmem>>
      %dma_start3A_342 = tpu.memref_squeeze %dma_start3A_341 : memref<1x64x128xf32, #tpu.memory_space<vmem>> -> memref<64x128xf32, #tpu.memory_space<vmem>>
      %dma_start3A_343 = arith.constant 0 : i32
      %dma_start3A_344 = tpu.memref_slice %arg6[%add3A_314, %dma_start3A_343] : memref<64x64xi32, #tpu.memory_space<vmem>> -> memref<1x64xi32, #tpu.memory_space<vmem>>
      %dma_start3A_345 = tpu.memref_squeeze %dma_start3A_344 : memref<1x64xi32, #tpu.memory_space<vmem>> -> memref<64xi32, #tpu.memory_space<vmem>>
      %dma_start3A_346 = arith.constant 0 : i32
      %dma_start3A_347 = arith.constant 0 : i32
      %dma_start3A_348 = tpu.memref_slice %arg4[%dma_start3A_346, %dma_start3A_347] : memref<131072x128xf32, #tpu.memory_space<hbm>> -> memref<131072x128xf32, #tpu.memory_space<hbm>>
      tpu.enqueue_indirect_dma source(%dma_start3A_342 : memref<64x128xf32, #tpu.memory_space<vmem>>) target(%dma_start3A_348 : memref<131072x128xf32, #tpu.memory_space<hbm>>) offsets(%dma_start3A_345 : memref<64xi32, #tpu.memory_space<vmem>>) semaphore(%arg22 : memref<!tpu.dma_semaphore, #tpu.memory_space<semaphore_mem>>)
      %add3A_349 = arith.constant 7 : i32
      %add3A_350 = arith.addi %add3A_100, %add3A_349 : i32
      %mul3A_351 = arith.constant 64 : i32
      %mul3A_352 = arith.muli %add3A_350, %mul3A_351 : i32
      %dma_wait3A_353 = arith.constant 7 : i32
      %dma_wait3A_354 = arith.constant 0 : i32
      %dma_wait3A_355 = arith.constant 0 : i32
      %dma_wait3A_356 = tpu.memref_slice %arg7[%dma_wait3A_353, %dma_wait3A_354, %dma_wait3A_355] : memref<8x64x128xf32, #tpu.memory_space<vmem>> -> memref<1x64x128xf32, #tpu.memory_space<vmem>>
      %dma_wait3A_357 = tpu.memref_squeeze %dma_wait3A_356 : memref<1x64x128xf32, #tpu.memory_space<vmem>> -> memref<64x128xf32, #tpu.memory_space<vmem>>
      %dma_wait3A_358 = tpu.memref_slice %arg5[%mul3A_352] : memref<4096xi32, #tpu.memory_space<vmem>> -> memref<64xi32, #tpu.memory_space<vmem>>
      %dma_wait3A_359 = arith.constant 0 : i32
      %dma_wait3A_360 = arith.constant 0 : i32
      %dma_wait3A_361 = tpu.memref_slice %arg3[%dma_wait3A_359, %dma_wait3A_360] : memref<65536x128xf32, #tpu.memory_space<hbm>> -> memref<65536x128xf32, #tpu.memory_space<hbm>>
      tpu.wait_indirect_dma semaphore(%arg15 : memref<!tpu.dma_semaphore, #tpu.memory_space<semaphore_mem>>) src(%dma_wait3A_361 : memref<65536x128xf32, #tpu.memory_space<hbm>>) dst(%dma_wait3A_357 : memref<64x128xf32, #tpu.memory_space<vmem>>)
      %add3A_362 = arith.constant 6 : i32
      %add3A_363 = arith.addi %add3A_350, %add3A_362 : i32
      %ge3A_364 = arith.constant 8 : i32
      %ge3A_365 = arith.cmpi sge, %add3A_363, %ge3A_364 : i32
      %convert_element_type3A_366 = arith.extui %ge3A_365 : i1 to i32
      %cond3A_367 = arith.constant 0 : i32
      %cond3A_368 = arith.cmpi ne, %convert_element_type3A_366, %cond3A_367 : i32
      scf.if %cond3A_368 {
        %sub3A = arith.constant 8 : i32
        %sub3A_385 = arith.subi %add3A_363, %sub3A : i32
        %dma_wait3A_386 = arith.constant 5 : i32
        %dma_wait3A_387 = arith.constant 0 : i32
        %dma_wait3A_388 = arith.constant 0 : i32
        %dma_wait3A_389 = tpu.memref_slice %arg7[%dma_wait3A_386, %dma_wait3A_387, %dma_wait3A_388] : memref<8x64x128xf32, #tpu.memory_space<vmem>> -> memref<1x64x128xf32, #tpu.memory_space<vmem>>
        %dma_wait3A_390 = tpu.memref_squeeze %dma_wait3A_389 : memref<1x64x128xf32, #tpu.memory_space<vmem>> -> memref<64x128xf32, #tpu.memory_space<vmem>>
        %dma_wait3A_391 = arith.constant 0 : i32
        %dma_wait3A_392 = tpu.memref_slice %arg6[%sub3A_385, %dma_wait3A_391] : memref<64x64xi32, #tpu.memory_space<vmem>> -> memref<1x64xi32, #tpu.memory_space<vmem>>
        %dma_wait3A_393 = tpu.memref_squeeze %dma_wait3A_392 : memref<1x64xi32, #tpu.memory_space<vmem>> -> memref<64xi32, #tpu.memory_space<vmem>>
        %dma_wait3A_394 = arith.constant 0 : i32
        %dma_wait3A_395 = arith.constant 0 : i32
        %dma_wait3A_396 = tpu.memref_slice %arg4[%dma_wait3A_394, %dma_wait3A_395] : memref<131072x128xf32, #tpu.memory_space<hbm>> -> memref<131072x128xf32, #tpu.memory_space<hbm>>
        tpu.wait_indirect_dma semaphore(%arg21 : memref<!tpu.dma_semaphore, #tpu.memory_space<semaphore_mem>>) src(%dma_wait3A_390 : memref<64x128xf32, #tpu.memory_space<vmem>>) dst(%dma_wait3A_396 : memref<131072x128xf32, #tpu.memory_space<hbm>>)
      } else {
      }
      %lt3A_369 = arith.constant 64 : i32
      %lt3A_370 = arith.cmpi slt, %add3A_363, %lt3A_369 : i32
      %convert_element_type3A_371 = arith.extui %lt3A_370 : i1 to i32
      %cond3A_372 = arith.constant 0 : i32
      %cond3A_373 = arith.cmpi ne, %convert_element_type3A_371, %cond3A_372 : i32
      scf.if %cond3A_373 {
        %mul3A_385 = arith.constant 64 : i32
        %mul3A_386 = arith.muli %add3A_363, %mul3A_385 : i32
        %dma_start3A_387 = arith.constant 5 : i32
        %dma_start3A_388 = arith.constant 0 : i32
        %dma_start3A_389 = arith.constant 0 : i32
        %dma_start3A_390 = tpu.memref_slice %arg7[%dma_start3A_387, %dma_start3A_388, %dma_start3A_389] : memref<8x64x128xf32, #tpu.memory_space<vmem>> -> memref<1x64x128xf32, #tpu.memory_space<vmem>>
        %dma_start3A_391 = tpu.memref_squeeze %dma_start3A_390 : memref<1x64x128xf32, #tpu.memory_space<vmem>> -> memref<64x128xf32, #tpu.memory_space<vmem>>
        %dma_start3A_392 = tpu.memref_slice %arg5[%mul3A_386] : memref<4096xi32, #tpu.memory_space<vmem>> -> memref<64xi32, #tpu.memory_space<vmem>>
        %dma_start3A_393 = arith.constant 0 : i32
        %dma_start3A_394 = arith.constant 0 : i32
        %dma_start3A_395 = tpu.memref_slice %arg3[%dma_start3A_393, %dma_start3A_394] : memref<65536x128xf32, #tpu.memory_space<hbm>> -> memref<65536x128xf32, #tpu.memory_space<hbm>>
        tpu.enqueue_indirect_dma source(%dma_start3A_395 : memref<65536x128xf32, #tpu.memory_space<hbm>>) target(%dma_start3A_391 : memref<64x128xf32, #tpu.memory_space<vmem>>) offsets(%dma_start3A_392 : memref<64xi32, #tpu.memory_space<vmem>>) semaphore(%arg13 : memref<!tpu.dma_semaphore, #tpu.memory_space<semaphore_mem>>)
      } else {
      }
      %dma_start3A_374 = arith.constant 7 : i32
      %dma_start3A_375 = arith.constant 0 : i32
      %dma_start3A_376 = arith.constant 0 : i32
      %dma_start3A_377 = tpu.memref_slice %arg7[%dma_start3A_374, %dma_start3A_375, %dma_start3A_376] : memref<8x64x128xf32, #tpu.memory_space<vmem>> -> memref<1x64x128xf32, #tpu.memory_space<vmem>>
      %dma_start3A_378 = tpu.memref_squeeze %dma_start3A_377 : memref<1x64x128xf32, #tpu.memory_space<vmem>> -> memref<64x128xf32, #tpu.memory_space<vmem>>
      %dma_start3A_379 = arith.constant 0 : i32
      %dma_start3A_380 = tpu.memref_slice %arg6[%add3A_350, %dma_start3A_379] : memref<64x64xi32, #tpu.memory_space<vmem>> -> memref<1x64xi32, #tpu.memory_space<vmem>>
      %dma_start3A_381 = tpu.memref_squeeze %dma_start3A_380 : memref<1x64xi32, #tpu.memory_space<vmem>> -> memref<64xi32, #tpu.memory_space<vmem>>
      %dma_start3A_382 = arith.constant 0 : i32
      %dma_start3A_383 = arith.constant 0 : i32
      %dma_start3A_384 = tpu.memref_slice %arg4[%dma_start3A_382, %dma_start3A_383] : memref<131072x128xf32, #tpu.memory_space<hbm>> -> memref<131072x128xf32, #tpu.memory_space<hbm>>
      tpu.enqueue_indirect_dma source(%dma_start3A_378 : memref<64x128xf32, #tpu.memory_space<vmem>>) target(%dma_start3A_384 : memref<131072x128xf32, #tpu.memory_space<hbm>>) offsets(%dma_start3A_381 : memref<64xi32, #tpu.memory_space<vmem>>) semaphore(%arg23 : memref<!tpu.dma_semaphore, #tpu.memory_space<semaphore_mem>>)
    }
    %scan3A_72 = arith.constant 8 : i32
    %dma_wait3A = arith.constant 6 : i32
    %dma_wait3A_73 = arith.constant 62 : i32
    %dma_wait3A_74 = arith.constant 0 : i32
    %dma_wait3A_75 = arith.constant 0 : i32
    %dma_wait3A_76 = tpu.memref_slice %arg7[%dma_wait3A, %dma_wait3A_74, %dma_wait3A_75] : memref<8x64x128xf32, #tpu.memory_space<vmem>> -> memref<1x64x128xf32, #tpu.memory_space<vmem>>
    %dma_wait3A_77 = tpu.memref_squeeze %dma_wait3A_76 : memref<1x64x128xf32, #tpu.memory_space<vmem>> -> memref<64x128xf32, #tpu.memory_space<vmem>>
    %dma_wait3A_78 = arith.constant 0 : i32
    %dma_wait3A_79 = tpu.memref_slice %arg6[%dma_wait3A_73, %dma_wait3A_78] : memref<64x64xi32, #tpu.memory_space<vmem>> -> memref<1x64xi32, #tpu.memory_space<vmem>>
    %dma_wait3A_80 = tpu.memref_squeeze %dma_wait3A_79 : memref<1x64xi32, #tpu.memory_space<vmem>> -> memref<64xi32, #tpu.memory_space<vmem>>
    %dma_wait3A_81 = arith.constant 0 : i32
    %dma_wait3A_82 = arith.constant 0 : i32
    %dma_wait3A_83 = tpu.memref_slice %arg4[%dma_wait3A_81, %dma_wait3A_82] : memref<131072x128xf32, #tpu.memory_space<hbm>> -> memref<131072x128xf32, #tpu.memory_space<hbm>>
    tpu.wait_indirect_dma semaphore(%arg22 : memref<!tpu.dma_semaphore, #tpu.memory_space<semaphore_mem>>) src(%dma_wait3A_77 : memref<64x128xf32, #tpu.memory_space<vmem>>) dst(%dma_wait3A_83 : memref<131072x128xf32, #tpu.memory_space<hbm>>)
    %dma_wait3A_84 = arith.constant 7 : i32
    %dma_wait3A_85 = arith.constant 63 : i32
    %dma_wait3A_86 = arith.constant 0 : i32
    %dma_wait3A_87 = arith.constant 0 : i32
    %dma_wait3A_88 = tpu.memref_slice %arg7[%dma_wait3A_84, %dma_wait3A_86, %dma_wait3A_87] : memref<8x64x128xf32, #tpu.memory_space<vmem>> -> memref<1x64x128xf32, #tpu.memory_space<vmem>>
    %dma_wait3A_89 = tpu.memref_squeeze %dma_wait3A_88 : memref<1x64x128xf32, #tpu.memory_space<vmem>> -> memref<64x128xf32, #tpu.memory_space<vmem>>
    %dma_wait3A_90 = arith.constant 0 : i32
    %dma_wait3A_91 = tpu.memref_slice %arg6[%dma_wait3A_85, %dma_wait3A_90] : memref<64x64xi32, #tpu.memory_space<vmem>> -> memref<1x64xi32, #tpu.memory_space<vmem>>
    %dma_wait3A_92 = tpu.memref_squeeze %dma_wait3A_91 : memref<1x64xi32, #tpu.memory_space<vmem>> -> memref<64xi32, #tpu.memory_space<vmem>>
    %dma_wait3A_93 = arith.constant 0 : i32
    %dma_wait3A_94 = arith.constant 0 : i32
    %dma_wait3A_95 = tpu.memref_slice %arg4[%dma_wait3A_93, %dma_wait3A_94] : memref<131072x128xf32, #tpu.memory_space<hbm>> -> memref<131072x128xf32, #tpu.memory_space<hbm>>
    tpu.wait_indirect_dma semaphore(%arg23 : memref<!tpu.dma_semaphore, #tpu.memory_space<semaphore_mem>>) src(%dma_wait3A_89 : memref<64x128xf32, #tpu.memory_space<vmem>>) dst(%dma_wait3A_95 : memref<131072x128xf32, #tpu.memory_space<hbm>>)
    return
  }
}

</mosaic_0001>

<sc_bundles>
// kernel: kernel.3.cloned.1.call-start
scs
__scs_entry_jumppad:
0x0: {  	(pc) =	sbr.rel $0x88, $3  }
0x1: {  	(tag) =	ssettag $0x0;
	lr =	simm.s32 $0x1  }
0x2: {  	[smem:$0x3F9F] =	sst lr;
	_ =	strace $0xD0000000  }
0x3: {  	_ = 	snop  }
0x4: {  	_ = 	snop  }
0x5: {  	_ = 	snop  }
0x6: {  	_ = 	snop  }
0x7: {  	_ = 	snop  }
__scs_overlays_trampoline_lowered:
0x8: {  	[smem:$0x3FAE] =	sst s0  }
0x9: {  	[smem:$0x3FAF] =	sst s1  }
0xa: {  	[smem:$0x3FB0] =	sst s2  }
0xb: {  	[smem:$0x3FB1] =	sst s3  }
0xc: {  	[smem:$0x3FB2] =	sst s4  }
0xd: {  	[smem:$0x3FB3] =	sst s5  }
0xe: {  	[smem:$0x3FB4] =	sst s6  }
0xf: {  	[smem:$0x3FB5] =	sst s7  }
0x10: {  	[smem:$0x3FB6] =	sst s8  }
0x11: {  	[smem:$0x3FB7] =	sst s9;
	s0 =	simm.s32 @!p0 $0x0  }
0x12: {  	s1 =	sld [smem:$0x3F9D];
	s0 =	simm.s32 @p0 $0x1  }
0x13: {  	[smem:$0x3FB8] =	sst s0;
	s0 =	simm.s32 @!p1 $0x0  }
0x14: {  	s2 =	sld [smem:$0x3F9C];
	s0 =	simm.s32 @p1 $0x1  }
0x15: {  	[smem:$0x3FB9] =	sst s0;
	s0 =	simm.s32 @!p2 $0x0  }
0x16: {  	s3 =	sld [smem:$0x3FDB];
	s0 =	simm.s32 @p2 $0x1  }
0x17: {  	s4 =	simm.s32 $0x1BF5;
	[smem:$0x3FBB] =	sst s0  }
0x18: {  	s0 =	sld [smem:$0x3F9E];
	_ =	swait.ge [sflag:s4], $0x0  }
0x19: {  	s7 =	sld [smem:$0x3F9F]  }
0x1a: {  	s8 =	sadd.s32 $0xFFFFE003, lr  }
0x1b: {  	s9 =	sadd.s32 $0xFFFFFEF7, lr;
	s5 =	simm.s32 $0xFFFFFFFF;
	p2 =	slt.u32 s8, $0xFFFFF086  }
0x1c: {  	p1 =	slt.u32 s9, $0xF7A;
	s5 =	simm.s32 @!p2 $0x0  }
0x1d: {  	s5 =	simm.s32 @p1 $0x1;
	p0 =	seq.s32 s7, s2  }
0x1e: {  	s7 =	smul.u32 @!p0 $0xF7A, s2;
	p2 =	seq.s32 @!p0 s5, $0x0  }
0x1f: {  	s9 =	smul.u32 $0xF7A, s1;
	s8 =	simm.s32 @!p0 $0x1BF5;
	p2 =	por !p2, p0  }
0x20: {  	[sflag:s8] =	ssyncset.s32 @!p0 $0xFFFFF086;
	s6 =	sadd.s32 @!p0 s3, s7;
	s7 =	simm.s32 @!p0 $0x108  }
0x21: {  	s3 =	sadd.s32 s3, s9;
	s6 =	sadd.s32 @!p0 $0x88, s6;
	s7 =	simm.s32 @p2 $0x1082  }
0x22: {  	[simem:s7], [sflag:s8] =	dma.local @!p0 [hbm:s6], $0xF7A  }
0x23: {  	s9 =	sor.u32 $0xD0000000, s2;
	s6 =	simm.s32 $0x108;
	_ =	swait.ge @!p0 [sflag:s8], $0x0  }
0x24: {  	s3 =	sadd.s32 $0x88, s3;
	s6 =	simm.s32 @!p1 $0x1082;
	[sflag:s4] =	ssyncset.s32 $0xFFFFF086  }
0x25: {  	[simem:s6], [sflag:s4] =	dma.local [hbm:s3], $0xF7A  }
0x26: {  	[smem:$0x3F9F] =	sst s1;
	(tag) =	ssettag s2;
	_ =	strace s9  }
0x27: {  	s1 =	sld [smem:$0x3FAF]  }
0x28: {  	s2 =	sld [smem:$0x3FB0]  }
0x29: {  	s4 =	sld [smem:$0x3FB2]  }
0x2a: {  	p0 =	seq.s32 s5, $0x0;
	s5 =	sld [smem:$0x3FB3]  }
0x2b: {  	s6 =	sld [smem:$0x3FB4]  }
0x2c: {  	s7 =	sld [smem:$0x3FB5]  }
0x2d: {  	s3 =	simm.s32 $0x108;
	s8 =	sld [smem:$0x3FB6]  }
0x2e: {  	s3 =	simm.s32 @!p0 $0x1082;
	s9 =	sld [smem:$0x3FB7]  }
0x2f: {  	lr =	sadd.s32 s0, s3;
	s0 =	sld [smem:$0x3FAE]  }
0x30: {  	s3 =	sld [smem:$0x3FB1]  }
0x31: {  	[smem:$0x3FBA] =	sst s10  }
0x32: {  	s10 =	sld [smem:$0x3FB8];
	_ =	sdelay $0x3  }
0x33: {  	p0 =	seq.s32 s10, $0x1;
	s10 =	sld [smem:$0x3FBA];
	_ =	sdelay $0x3  }
0x34: {  	[smem:$0x3FBA] =	sst s10  }
0x35: {  	s10 =	sld [smem:$0x3FB9];
	_ =	sdelay $0x3  }
0x36: {  	p1 =	seq.s32 s10, $0x1;
	s10 =	sld [smem:$0x3FBA];
	_ =	sdelay $0x3  }
0x37: {  	[smem:$0x3FBA] =	sst s10  }
0x38: {  	s10 =	sld [smem:$0x3FBB]  }
0x39: {  	_ = 	snop;
	(pc) =	sbr.ind lr, $3  }
0x3a: {  	_ = 	snop  }
0x3b: {  	_ = 	snop  }
0x3c: {  	p2 =	seq.s32 s10, $0x1;
	s10 =	sld [smem:$0x3FBA]  }
0x3d: {  	_ =	shalt  }
0x3e: {  	_ =	shalt  }
0x3f: {  	_ =	shalt  }
0x40: {  	_ =	shalt  }
0x41: {  	_ =	shalt  }
0x42: {  	_ =	shalt  }
0x43: {  	_ =	shalt  }
0x44: {  	_ =	shalt  }
0x45: {  	_ =	shalt  }
0x46: {  	_ =	shalt  }
0x47: {  	_ =	shalt  }
0x48: {  	_ =	shalt  }
0x49: {  	_ =	shalt  }
0x4a: {  	_ =	shalt  }
0x4b: {  	_ =	shalt  }
0x4c: {  	_ =	shalt  }
0x4d: {  	_ =	shalt  }
0x4e: {  	_ =	shalt  }
0x4f: {  	_ =	shalt  }
0x50: {  	_ =	shalt  }
0x51: {  	_ =	shalt  }
0x52: {  	_ =	shalt  }
0x53: {  	_ =	shalt  }
0x54: {  	_ =	shalt  }
0x55: {  	_ =	shalt  }
0x56: {  	_ =	shalt  }
0x57: {  	_ =	shalt  }
0x58: {  	_ =	shalt  }
0x59: {  	_ =	shalt  }
0x5a: {  	_ =	shalt  }
0x5b: {  	_ =	shalt  }
0x5c: {  	_ =	shalt  }
0x5d: {  	_ =	shalt  }
0x5e: {  	_ =	shalt  }
0x5f: {  	_ =	shalt  }
0x60: {  	_ =	shalt  }
0x61: {  	_ =	shalt  }
0x62: {  	_ =	shalt  }
0x63: {  	_ =	shalt  }
0x64: {  	_ =	shalt  }
0x65: {  	_ =	shalt  }
0x66: {  	_ =	shalt  }
0x67: {  	_ =	shalt  }
0x68: {  	_ =	shalt  }
0x69: {  	_ =	shalt  }
0x6a: {  	_ =	shalt  }
0x6b: {  	_ =	shalt  }
0x6c: {  	_ =	shalt  }
0x6d: {  	_ =	shalt  }
0x6e: {  	_ =	shalt  }
0x6f: {  	_ =	shalt  }
0x70: {  	_ =	shalt  }
0x71: {  	_ =	shalt  }
0x72: {  	_ =	shalt  }
0x73: {  	_ =	shalt  }
0x74: {  	_ =	shalt  }
0x75: {  	_ =	shalt  }
0x76: {  	_ =	shalt  }
0x77: {  	_ =	shalt  }
0x78: {  	_ =	shalt  }
0x79: {  	_ =	shalt  }
0x7a: {  	_ =	shalt  }
0x7b: {  	_ =	shalt  }
0x7c: {  	_ =	shalt  }
0x7d: {  	_ =	shalt  }
0x7e: {  	_ =	shalt  }
0x7f: {  	_ =	shalt  }
0x80: {  	_ =	shalt  }
0x81: {  	_ =	shalt  }
0x82: {  	_ =	shalt  }
0x83: {  	_ =	shalt  }
0x84: {  	_ =	shalt  }
0x85: {  	_ =	shalt  }
0x86: {  	_ =	shalt  }
0x87: {  	_ =	shalt  }
.Lfunc_end0:
.L_simem_size_0:
called_computation_lowered:
.L_overlay_start_0:
0x88: {  	s2 =	sld [smem:$0x3FD9]  }
0x89: {  	s3 =	sld [smem:$0x3FFE];
	_ =	sdelay $0x1  }
0x8a: {  	s1 =	srdreg.scid  }
0x8b: {  	s0 =	sand.u32 $0x1, s1  }
0x8c: {  	s17 =	sshll.u32 s0, $0xA;
	s2 =	sadd.s32 s3, s2  }
0x8d: {  	s2 =	sadd.s32 s2, s17  }
0x8e: {  	[smem:$0x3FC6] =	sst s2  }
0x8f: {  	_ = 	snop  }
0x90: {  	s2 =	sld [smem:$0x3FC8]  }
0x91: {  	s18 =	sld [smem:$0x3FD0];
	(tm) =	ssettm $0x1  }
0x92: {  	s4 =	sld [smem:$0x3FFB];
	_ =	sdelay $0x3  }
0x93: {  	_ =	strace s4  }
0x94: {  	s4 =	sld [smem:$0x3FFC];
	_ =	sdelay $0x3  }
0x95: {  	_ =	strace s4  }
0x96: {  	s4 =	sld [smem:$0x3FFD];
	_ =	sdelay $0x3  }
0x97: {  	_ =	strace s4  }
0x98: {  	_ =	strace $0x8FFFFFFF  }
0x99: {  	s19 =	sld [smem:$0x3FDB];
	_ =	sdelay $0x1  }
0x9a: {  	s5 =	simm.s32 $_scs_section_size  }
0x9b: {  	s6 =	simm.s32 $_size__tile_overlayer_lowered;
	s7 =	simm.s32 $_tile_overlayer_lowered  }
0x9c: {  	s22 =	simm.s32 $0x1BFF;
	s21 =	sshll.u32 s7, $0x1;
	s4 =	sadd.s32 s5, s19  }
0x9d: {  	s8 =	simm.s32 $0x0;
	s20 =	sshll.u32 s6, $0x1;
	s6 =	sadd.s32 s21, s4  }
0x9e: {  	[timem:s8], [sflag:s22] =	dma.local [hbm:s6], s20  }
0x9f: {  	_ =	swait.ge [sflag:s22], s20  }
0xa0: {  	s5 =	ssub.s32 $0x0, s20;
	[sflag:s22] =	ssyncset.done $0x0  }
0xa1: {  	[sflag:s22] =	ssyncadd.s32 s5;
	_ =	sdelay $0x1  }
0xa2: {  	s23 =	simm.s32 $0x1B8B  }
0xa3: {  	_ =	swait.ge [sflag:s23], $0x1  }
0xa4: {  	[sflag:s23] =	ssyncset.done $0x0  }
0xa5: {  	s25 =	simm.s32 $0x1B8E;
	s24 =	sld [smem:$0x3FFE];
	[sflag:s23] =	ssyncadd.s32 $0xFFFFFFFF  }
0xa6: {  	s26 =	simm.s32 $execute0_lowered;
	[smem:$0x3FD2] =	sst s25  }
0xa7: {  	s6 =	sshll.u32 s26, $0x1;
	_ =	strace $0x80000046;
	[dreg:$0x1] =	wrdreg $0xFFFFFFFF  }
0xa8: {  	s28 =	simm.s32 $_size_execute0_lowered;
	s4 =	sadd.s32 s4, s6;
	[dreg:$0x0] =	wrdreg $0x0  }
0xa9: {  	s6 =	sshll.u32 s28, $0x1;
	[dreg:$0x2] =	wrdreg s4  }
0xaa: {  	[dreg:$0x3] =	wrdreg s6  }
0xab: {  	[dreg:$0x4] =	wrdreg $0xC0  }
0xac: {  	_ =	task [dreg:s8], $0x5FFFF  }
0xad: {  	[dreg:$0x1] =	wrdreg $0xFFFFFFFF  }
0xae: {  	[dreg:$0x0] =	wrdreg $0x60  }
0xaf: {  	[dreg:$0x2] =	wrdreg s24  }
0xb0: {  	[dreg:$0x3] =	wrdreg s2  }
0xb1: {  	[dreg:$0x4] =	wrdreg s18  }
0xb2: {  	[dreg:$0x5] =	wrdreg $0x9  }
0xb3: {  	_ =	task.clear_ibuf [dreg:s8], $0x6FFFF;
	_ =	strace $0x90000046  }
0xb4: {  	s29 =	simm.s32 $0x9;
	_ =	strace $0x80000048  }
0xb5: {  	_ =	swait.ge [sflag:s29], $0x1  }
0xb6: {  	[sflag:s29] =	ssyncadd.s32 $0xFFFFFFFF  }
0xb7: {  	_ =	strace $0x90000048  }
0xb8: {  	_ =	sfence  }
0xb9: {  	s30 =	sld [smem:$0x0];
	_ =	sdelay $0x2  }
0xba: {  	s31 =	sshll.u32 s1, $0xD;
	s1 =	sshrl.u32 s1, $0x2  }
0xbb: {  	s3 =	sand.u32 $0x4000, s31;
	s1 =	sadd.s32 s1, s30  }
0xbc: {  	s0 =	sor.u32 s3, s0;
	s1 =	sshll.u32 s1, $0x11  }
0xbd: {  	s0 =	sor.u32 s1, s0  }
0xbe: {  	s0 =	sadd.s32 $0x8F2B, s0  }
0xbf: {  	[sflag:s0] =	ssyncadd.remote.s32 $0x1  }
0xc0: {  	_ =	sfence.sel $0xFFFF  }
0xc1: {  	[dreg:$0x0] =	wrdreg $0xFFFFFFFF;
	(pc) =	sbr.abs _section_cstart, $3  }
0xc2: {  	[dreg:$0x1] =	wrdreg $0xFFFFFFFF  }
0xc3: {  	_ =	task.clear_ibuf [dreg:s8], $0x2FFFF;
	_ =	strace $0x9FFFFFFF  }
0xc4: {  	(tm) =	ssettm $0x7FFFFFFF  }
0xc5: {  	_ =	shalt  }
tec
execute0_lowered:
.L_overlay_start_1:
0x0: {  	(tag) =	ssettag $0x1  }
0x1: {  	s0 =	rddreg [dreg:$0x0]  }
0x2: {  	s1 =	srdreg.scid;
	s2 =	rddreg [dreg:$0x1]  }
0x3: {  	s4 =	stileid.u32;
	s3 =	rddreg [dreg:$0x2]  }
0x4: {  	s25 =	simm.s32 $0x0;
	s9 =	simm.s32 $0x40;
	s10 =	simm.s32 $0x3000  }
0x5: {  	s11 =	simm.s32 $0x5000;
	s15 =	simm.s32 $0x9000;
	s17 =	simm.s32 $0xB000  }
0x6: {  	s19 =	simm.s32 $0xD000;
	s20 =	simm.s32 $0x1;
	s21 =	simm.s32 $0xF000  }
0x7: {  	s22 =	simm.s32 $0x2;
	s23 =	simm.s32 $0x11000;
	s24 =	simm.s32 $0x3  }
0x8: {  	s28 =	simm.s32 $0xB;
	s29 =	simm.s32 $0x7;
	s30 =	simm.s32 $0xD  }
0x9: {  	s16 =	simm.s32 $0x0;
	s1 =	sand.u32 $0x1, s1;
	s4 =	sshll.u32 s4, $0xD  }
0xa: {  	[smem:$0x7FF] =	sst s25;
	s5 =	sshll.u32 s1, $0xC;
	s1 =	ssub.s32 $0x2, s1  }
.Ltmp0:
0xb: {  	s4 =	sor.u32 s5, s4;
	s26 =	sshrl.u32 s1, $0x1;
	(pc) =	sbr.rel .LBB2_1-.Ltmp0, $4  }
0xc: {  	s25 =	simm.s32 $0x9;
	s6 =	sshrl.u32 s4, $0x3;
	s1 =	ssub.s32 s1, s26  }
0xd: {  	_ =	strace $0x80000047;
	s0 =	sadd.s32 s6, s0;
	s31 =	smax.u32 s1, $0x1  }
0xe: {  	v1 =	vlaneseq.u32;
	s26 =	simm.s32 $0x5;
	s0 =	sadd.s32 $0x400, s0;
	[dreg:$0x5] =	wrdreg s31  }
0xf: {  	v0 =	vmul.u32 $0x4, v1;
	v1 =	vand.u32 $0x7, v1;
	s1 =	simm.s32 $0x8;
	[dreg:$0x4] =	wrdreg s0;
	s0 =	simm.s32 $0xE  }
.LBB2_6:
0x10: {  	s5 =	simm.s32 $0x2F00  }
0x11: {  	[hbm4b:s3+s9] =	stream.indirect.scatter [tilespmem:s21], [sflag:$0xF], $0x80, s5, s9, $0xb8;
	[tilespmem:$0x13000] =	vst v63  }
0x12: {  	_ =	swait.ge [sflag:s1], $0x2000  }
0x13: {  	[sflag:s1] =	ssyncset.done $0x0  }
0x14: {  	[sflag:s1] =	ssyncadd.s32 $0xFFFFE000  }
0x15: {  	_ =	swait.ge [sflag:s0], $0x2000  }
0x16: {  	[sflag:s0] =	ssyncset.done $0x0  }
0x17: {  	s14 =	simm.s32 $0x2F80;
	s18 =	simm.s32 $0xF;
	[sflag:s0] =	ssyncadd.s32 $0xFFFFE000  }
0x18: {  	[hbm4b:s3+s9] =	stream.indirect.scatter [tilespmem:s23], [sflag:$0x10], $0x80, s14, s9, $0xb8;
	[tilespmem:$0x13000] =	vst v63  }
0x19: {  	_ =	swait.ge [sflag:s18], $0x2000  }
0x1a: {  	[sflag:s18] =	ssyncset.done $0x0  }
0x1b: {  	s6 =	simm.s32 $0x10;
	[sflag:s18] =	ssyncadd.s32 $0xFFFFE000  }
0x1c: {  	_ =	swait.ge [sflag:s6], $0x2000  }
0x1d: {  	s16 =	sadd.s32 $0x1, s16;
	s31 =	rddreg [dreg:$0x5]  }
0x1e: {  	p0 =	sne.s32 s16, s31  }
.Ltmp1:
0x1f: {  	_ = 	snop;
	(pc) =	sbr.rel @!p0 .LBB2_7-.Ltmp1, $3  }
0x20: {  	_ =	sdelay $0x1  }
0x21: {  	[sflag:s6] =	ssyncset.done $0x0  }
0x22: {  	[sflag:s6] =	ssyncadd.s32 $0xFFFFE000  }
.LBB2_1:
0x23: {  	s5 =	simm.s32 $0x0;
	s6 =	rddreg [dreg:$0x4];
	s7 =	simm.s32 $0x11  }
0x24: {  	[tilespmem:s5], [sflag:$0x11] =	stream.linear.gather [hbm4b:s6+s5], $0x1000, $0x38;
	[tilespmem:$0x13000] =	vst v63  }
0x25: {  	_ =	swait.ge [sflag:s7], $0x1000  }
0x26: {  	[sflag:s7] =	ssyncset.done $0x0  }
0x27: {  	[sflag:s7] =	ssyncadd.s32 $0xFFFFF000  }
0x28: {  	[tilespmem:s10], [sflag:$0x1] =	stream.indirect.gather [hbm4b:s2+s9], $0x80, s5, s9, $0xb8;
	[tilespmem:$0x13000] =	vst v63  }
0x29: {  	_ = 	snop  }
0x2a: {  	[tilespmem:s11], [sflag:$0x2] =	stream.indirect.gather [hbm4b:s2+s9], $0x80, s9, s9, $0xb8;
	[tilespmem:$0x13000] =	vst v63  }
0x2b: {  	s8 =	simm.s32 $0x80;
	s7 =	simm.s32 $0x7000  }
0x2c: {  	[tilespmem:s7], [sflag:$0x3] =	stream.indirect.gather [hbm4b:s2+s9], $0x80, s8, s9, $0xb8;
	[tilespmem:$0x13000] =	vst v63  }
0x2d: {  	s12 =	simm.s32 $0xC0;
	s13 =	sadd.s32 $0x0, s4  }
0x2e: {  	[tilespmem:s15], [sflag:$0x4] =	stream.indirect.gather [hbm4b:s2+s9], $0x80, s12, s9, $0xb8;
	[tilespmem:$0x13000] =	vst v63  }
0x2f: {  	s14 =	simm.s32 $0x100;
	v3 =	vmov s13  }
0x30: {  	v2 =	vshll.u32 v3, $0x2;
	v4 =	vshrl.u32 v3, $0xA;
	[tilespmem:s17], [sflag:$0x5] =	stream.indirect.gather [hbm4b:s2+s9], $0x80, s14, s9, $0xb8;
	[tilespmem:$0x13000] =	vst v63  }
0x31: {  	s18 =	simm.s32 $0x140;
	s31 =	simm.s32 $0x0;
	v5 =	vand.u32 $0x1C000, v3;
	v6 =	vshll.u32 v3, $0x1;
	v4 =	vand.u32 $0x8, v4  }
0x32: {  	v6 =	vand.u32 $0x3C00, v6;
	v2 =	vor.u32 v0, v2;
	v4 =	vor.u32 v4, v5;
	[tilespmem:s19], [sflag:$0x6] =	stream.indirect.gather [hbm4b:s2+s9], $0x80, s18, s9, $0xb8;
	[tilespmem:$0x13000] =	vst v63  }
0x33: {  	s6 =	sand.u32 $0x7E00, s5;
	v3 =	vshrl.u32 v3, $0x4;
	v2 =	vand.u32 $0x3E0, v2;
	v4 =	vor.u32 v6, v4;
	s12 =	simm.s32 $0x80;
	s18 =	simm.s32 $0x10  }
.LBB2_2:
0x34: {  	s7 =	sadd.s32 s18, s4  }
0x35: {  	p0 =	sne.s32 s12, $0x7F80;
	v3 =	vand.u32 $0x10, v3;
	v2 =	vor.u32 v2, v4;
	s5 =	smov.u32 s12;
	s12 =	sadd.s32 $0x80, s12  }
.Ltmp2:
0x36: {  	s6 =	sshrl.u32 s6, $0x2;
	v4 =	vmov s7;
	v2 =	vor.u32 v3, v2;
	s7 =	sand.u32 $0x30, s31;
	(pc) =	sbr.rel @p0 .LBB2_2-.Ltmp2, $4  }
0x37: {  	s31 =	smov.u32 s18;
	v3 =	vshll.u32 v4, $0x2;
	v5 =	vshrl.u32 v4, $0xA;
	v2 =	vor.u32 v1, v2;
	s6 =	sor.u32 s7, s6  }
0x38: {  	v6 =	vand.u32 $0x1C000, v4;
	v7 =	vshll.u32 v4, $0x1;
	v5 =	vand.u32 $0x8, v5;
	[tilespmem:s6+$0x1000] =	vst v2  }
0x39: {  	v7 =	vand.u32 $0x3C00, v7;
	v2 =	vor.u32 v0, v3;
	v5 =	vor.u32 v5, v6  }
0x3a: {  	s18 =	sadd.s32 $0x10, s18;
	v3 =	vshrl.u32 v4, $0x4;
	s6 =	sand.u32 $0x7E00, s5;
	v2 =	vand.u32 $0x3E0, v2;
	v4 =	vor.u32 v7, v5  }
0x3b: {  	v3 =	vand.u32 $0x10, v3;
	v2 =	vor.u32 v2, v4  }
0x3c: {  	s5 =	sand.u32 $0x30, s31;
	s6 =	sshrl.u32 s6, $0x2;
	v2 =	vor.u32 v3, v2  }
0x3d: {  	s5 =	sor.u32 s5, s6;
	v2 =	vor.u32 v1, v2  }
0x3e: {  	s18 =	simm.s32 $0x0;
	s31 =	simm.s32 $0x1200;
	[tilespmem:s5+$0x1000] =	vst v2  }
.LBB2_4:
0x3f: {  	_ =	swait.ge [sflag:s20], $0x2000  }
0x40: {  	p0 =	seq.s32 s18, $0x0;
	[sflag:s20] =	ssyncset.done $0x0  }
0x41: {  	s5 =	simm.s32 @!p0 $0xF;
	[sflag:s20] =	ssyncadd.s32 $0xFFFFE000  }
0x42: {  	_ =	swait.ge @!p0 [sflag:s5], $0x2000  }
0x43: {  	s12 =	sshra.s32 s18, $0x2;
	[sflag:s5] =	ssyncset.done @!p0 $0x0  }
0x44: {  	s6 =	sadd.s32 $0x180, s12;
	[sflag:s5] =	ssyncadd.s32 @!p0 $0xFFFFE000  }
0x45: {  	[tilespmem:s21], [sflag:$0x7] =	stream.indirect.gather [hbm4b:s2+s9], $0x80, s6, s9, $0xb8;
	[tilespmem:$0x13000] =	vst v63  }
0x46: {  	s7 =	sadd.s32 $0xFFFFFE00, s31  }
0x47: {  	[hbm4b:s3+s9] =	stream.indirect.scatter [tilespmem:s10], [sflag:$0x9], $0x80, s7, s9, $0xb8;
	[tilespmem:$0x13000] =	vst v63  }
0x48: {  	_ =	swait.ge [sflag:s22], $0x2000  }
0x49: {  	[sflag:s22] =	ssyncset.done $0x0  }
0x4a: {  	s5 =	simm.s32 @!p0 $0x10;
	[sflag:s22] =	ssyncadd.s32 $0xFFFFE000  }
0x4b: {  	_ =	swait.ge @!p0 [sflag:s5], $0x2000  }
0x4c: {  	[sflag:s5] =	ssyncset.done @!p0 $0x0  }
0x4d: {  	s8 =	sadd.s32 $0x1C0, s12;
	[sflag:s5] =	ssyncadd.s32 @!p0 $0xFFFFE000  }
0x4e: {  	[tilespmem:s23], [sflag:$0x8] =	stream.indirect.gather [hbm4b:s2+s9], $0x80, s8, s9, $0xb8;
	[tilespmem:$0x13000] =	vst v63  }
0x4f: {  	s13 =	sadd.s32 $0xFFFFFE80, s31  }
0x50: {  	[hbm4b:s3+s9] =	stream.indirect.scatter [tilespmem:s11], [sflag:$0xA], $0x80, s13, s9, $0xb8;
	[tilespmem:$0x13000] =	vst v63  }
0x51: {  	_ =	swait.ge [sflag:s24], $0x2000  }
0x52: {  	[sflag:s24] =	ssyncset.done $0x0  }
0x53: {  	[sflag:s24] =	ssyncadd.s32 $0xFFFFE000  }
0x54: {  	p0 =	seq.s32 s18, $0x3800;
	_ =	swait.ge [sflag:s25], $0x2000  }
0x55: {  	s5 =	sadd.s32 @p0 $0xFFFFFF00, s31;
	[sflag:s25] =	ssyncset.done $0x0  }
0x56: {  	s6 =	simm.s32 @p0 $0x40;
	s7 =	simm.s32 @p0 $0x7000;
	[sflag:s25] =	ssyncadd.s32 $0xFFFFE000  }
0x57: {  	[hbm4b:s3+s6] =	stream.indirect.scatter @p0 [tilespmem:s7], [sflag:$0xB], $0x80, s5, s6, $0xb8;
	[tilespmem:$0x13000] =	vst v63  }
0x58: {  	s5 =	simm.s32 @p0 $0x4  }
0x59: {  	_ =	swait.ge @p0 [sflag:s5], $0x2000  }
0x5a: {  	[sflag:s5] =	ssyncset.done @p0 $0x0  }
0x5b: {  	[sflag:s5] =	ssyncadd.s32 @p0 $0xFFFFE000;
	s5 =	simm.s32 @p0 $0xA  }
0x5c: {  	_ =	swait.ge @p0 [sflag:s5], $0x2000  }
0x5d: {  	[sflag:s5] =	ssyncset.done @p0 $0x0  }
0x5e: {  	[sflag:s5] =	ssyncadd.s32 @p0 $0xFFFFE000;
	s5 =	sshra.s32 @!p0 s18, $0x2  }
0x5f: {  	s8 =	simm.s32 @!p0 $0x40;
	s13 =	simm.s32 @!p0 $0x3000;
	s7 =	sadd.s32 @!p0 $0x200, s5  }
0x60: {  	[tilespmem:s13], [sflag:$0x1] =	stream.indirect.gather @!p0 [hbm4b:s2+s8], $0x80, s7, s8, $0xb8;
	[tilespmem:$0x13000] =	vst v63  }
0x61: {  	s7 =	sadd.s32 @!p0 $0xFFFFFF00, s31;
	s13 =	simm.s32 @!p0 $0x7000  }
0x62: {  	[hbm4b:s3+s8] =	stream.indirect.scatter @!p0 [tilespmem:s13], [sflag:$0xB], $0x80, s7, s8, $0xb8;
	[tilespmem:$0x13000] =	vst v63  }
0x63: {  	s7 =	simm.s32 @!p0 $0x4  }
0x64: {  	_ =	swait.ge @!p0 [sflag:s7], $0x2000  }
0x65: {  	[sflag:s7] =	ssyncset.done @!p0 $0x0  }
0x66: {  	[sflag:s7] =	ssyncadd.s32 @!p0 $0xFFFFE000;
	s7 =	simm.s32 @!p0 $0xA  }
0x67: {  	_ =	swait.ge @!p0 [sflag:s7], $0x2000  }
0x68: {  	[sflag:s7] =	ssyncset.done @!p0 $0x0  }
0x69: {  	s14 =	simm.s32 @!p0 $0x5000;
	[sflag:s7] =	ssyncadd.s32 @!p0 $0xFFFFE000;
	s7 =	sadd.s32 @!p0 $0x240, s5  }
0x6a: {  	[tilespmem:s14], [sflag:$0x2] =	stream.indirect.gather @!p0 [hbm4b:s2+s8], $0x80, s7, s8, $0xb8;
	[tilespmem:$0x13000] =	vst v63  }
0x6b: {  	s14 =	sadd.s32 $0xFFFFFF80, s31  }
0x6c: {  	[hbm4b:s3+s9] =	stream.indirect.scatter [tilespmem:s15], [sflag:$0xC], $0x80, s14, s9, $0xb8;
	[tilespmem:$0x13000] =	vst v63  }
0x6d: {  	_ =	swait.ge [sflag:s26], $0x2000  }
0x6e: {  	[sflag:s26] =	ssyncset.done $0x0  }
0x6f: {  	[sflag:s26] =	ssyncadd.s32 $0xFFFFE000  }
0x70: {  	_ =	swait.ge [sflag:s28], $0x2000  }
0x71: {  	[sflag:s28] =	ssyncset.done $0x0  }
0x72: {  	s7 =	simm.s32 @p0 $0xB000;
	[sflag:s28] =	ssyncadd.s32 $0xFFFFE000  }
0x73: {  	[hbm4b:s3+s6] =	stream.indirect.scatter @p0 [tilespmem:s7], [sflag:$0xD], $0x80, s31, s6, $0xb8;
	[tilespmem:$0x13000] =	vst v63  }
0x74: {  	s6 =	simm.s32 @p0 $0x6  }
0x75: {  	_ =	swait.ge @p0 [sflag:s6], $0x2000  }
0x76: {  	[sflag:s6] =	ssyncset.done @p0 $0x0  }
0x77: {  	[sflag:s6] =	ssyncadd.s32 @p0 $0xFFFFE000;
	s6 =	simm.s32 @p0 $0xC  }
0x78: {  	_ =	swait.ge @p0 [sflag:s6], $0x2000  }
0x79: {  	[sflag:s6] =	ssyncset.done @p0 $0x0  }
0x7a: {  	[sflag:s6] =	ssyncadd.s32 @p0 $0xFFFFE000;
	s6 =	sadd.s32 @!p0 $0x280, s5  }
0x7b: {  	[tilespmem:s13], [sflag:$0x3] =	stream.indirect.gather @!p0 [hbm4b:s2+s8], $0x80, s6, s8, $0xb8;
	[tilespmem:$0x13000] =	vst v63  }
0x7c: {  	s6 =	simm.s32 @!p0 $0xB000  }
0x7d: {  	[hbm4b:s3+s8] =	stream.indirect.scatter @!p0 [tilespmem:s6], [sflag:$0xD], $0x80, s31, s8, $0xb8;
	[tilespmem:$0x13000] =	vst v63  }
0x7e: {  	s6 =	simm.s32 @!p0 $0x6  }
0x7f: {  	_ =	swait.ge @!p0 [sflag:s6], $0x2000  }
0x80: {  	[sflag:s6] =	ssyncset.done @!p0 $0x0  }
0x81: {  	[sflag:s6] =	ssyncadd.s32 @!p0 $0xFFFFE000;
	s6 =	simm.s32 @!p0 $0xC  }
0x82: {  	_ =	swait.ge @!p0 [sflag:s6], $0x2000  }
0x83: {  	[sflag:s6] =	ssyncset.done @!p0 $0x0  }
0x84: {  	s5 =	sadd.s32 @!p0 $0x2C0, s5;
	[sflag:s6] =	ssyncadd.s32 @!p0 $0xFFFFE000;
	s6 =	simm.s32 @!p0 $0x9000  }
0x85: {  	[tilespmem:s6], [sflag:$0x4] =	stream.indirect.gather @!p0 [hbm4b:s2+s8], $0x80, s5, s8, $0xb8;
	[tilespmem:$0x13000] =	vst v63  }
0x86: {  	s14 =	sadd.s32 $0x80, s31  }
0x87: {  	[hbm4b:s3+s9] =	stream.indirect.scatter [tilespmem:s19], [sflag:$0xE], $0x80, s14, s9, $0xb8;
	[tilespmem:$0x13000] =	vst v63  }
0x88: {  	_ =	swait.ge [sflag:s29], $0x2000  }
.Ltmp3:
0x89: {  	[sflag:s29] =	ssyncset.done $0x0;
	(pc) =	sbr.rel @p0 .LBB2_6-.Ltmp3, $4  }
0x8a: {  	[sflag:s29] =	ssyncadd.s32 $0xFFFFE000  }
0x8b: {  	_ =	swait.ge [sflag:s30], $0x2000  }
0x8c: {  	[sflag:s30] =	ssyncset.done $0x0  }
0x8d: {  	[sflag:s30] =	ssyncadd.s32 $0xFFFFE000  }
0x8e: {  	s5 =	sadd.s32 $0x300, s12  }
0x8f: {  	[tilespmem:s17], [sflag:$0x5] =	stream.indirect.gather [hbm4b:s2+s9], $0x80, s5, s9, $0xb8;
	[tilespmem:$0x13000] =	vst v63  }
0x90: {  	s8 =	sadd.s32 $0x100, s31  }
0x91: {  	[hbm4b:s3+s9] =	stream.indirect.scatter [tilespmem:s21], [sflag:$0xF], $0x80, s8, s9, $0xb8;
	[tilespmem:$0x13000] =	vst v63  }
0x92: {  	_ =	swait.ge [sflag:s1], $0x2000  }
0x93: {  	[sflag:s1] =	ssyncset.done $0x0  }
0x94: {  	[sflag:s1] =	ssyncadd.s32 $0xFFFFE000  }
0x95: {  	_ =	swait.ge [sflag:s0], $0x2000  }
.Ltmp4:
0x96: {  	[sflag:s0] =	ssyncset.done $0x0;
	(pc) =	sbr.rel .LBB2_4-.Ltmp4, $4  }
0x97: {  	s13 =	sadd.s32 $0x340, s12;
	[sflag:s0] =	ssyncadd.s32 $0xFFFFE000  }
0x98: {  	[tilespmem:s19], [sflag:$0x6] =	stream.indirect.gather [hbm4b:s2+s9], $0x80, s13, s9, $0xb8;
	[tilespmem:$0x13000] =	vst v63  }
0x99: {  	s14 =	sadd.s32 $0x180, s31;
	s18 =	sadd.s32 $0x800, s18;
	s31 =	sadd.s32 $0x400, s31  }
0x9a: {  	[hbm4b:s3+s9] =	stream.indirect.scatter [tilespmem:s23], [sflag:$0x10], $0x80, s14, s9, $0xb8;
	[tilespmem:$0x13000] =	vst v63  }
.LBB2_7:
0x9b: {  	_ =	sfence.sel $0x180000  }
0x9c: {  	[bflag:$0x0] =	sbarrier.arrive $0xFFFF  }
0x9d: {  	_ =	strace $0x90000047  }
0x9e: {  	s0 =	stileid.u32;
	[bflag:$0x2] =	sbarrier.arrive $0xFFFF  }
0x9f: {  	p0 =	sne.s32 s0, $0x0;
	s0 =	rddreg [dreg:$0x3]  }
0xa0: {  	s0 =	sadd.s32 @!p0 $0x100000, s0  }
0xa1: {  	[sflag:s0] =	ssyncadd.tile.s32 @!p0 $0x1;
	_ =	shalt  }
.Lfunc_end2:
_tile_overlayer_lowered:
.L_overlay_start_2:
0xa2: {  	(tag) =	ssettag $0x2  }
0xa3: {  	s0 =	rddreg [dreg:$0x0];
	s2 =	stileid.u32  }
0xa4: {  	s1 =	rddreg [dreg:$0x1];
	p0 =	sne.s32 s2, $0x0  }
0xa5: {  	s3 =	rddreg [dreg:$0x2];
	[bflag:$0x3] =	sbarrier.arrive $0xFFFF;
	s2 =	simm.s32 @!p0 $0x1C11  }
0xa6: {  	[timem:s3], [sflag:s2] =	dma.local @!p0 [hbm:s0], s1  }
0xa7: {  	s0 =	simm.s32 @!p0 $0x11  }
0xa8: {  	_ =	swait.ge @!p0 [sflag:s0], s1  }
0xa9: {  	s1 =	ssub.s32 @!p0 $0x0, s1;
	[sflag:s0] =	ssyncset.done @!p0 $0x0  }
0xaa: {  	[sflag:s0] =	ssyncadd.s32 @!p0 s1  }
0xab: {  	[bflag:$0x3] =	sbarrier.arrive $0xFFFF  }
0xac: {  	_ =	shalt  }

</sc_bundles>
